<compile_context>
chip_gen: v7x
topology: tpu7x:2x2x1
jax: 0.10.2.dev20260603
libtpu: 0.0.44.dev20260713+nightly
codegen_flags: <defaults>
</compile_context>

<pallas_src>
import functools

import jax
import jax.numpy as jnp
from jax import lax
from jax.experimental import pallas as pl
from jax.experimental.pallas import tpu as pltpu
from jax.experimental.pallas import tpu_sc as plsc

N = 4 * 19 * 512 * 512
RIDX = min(int(0.001 * N), N - 1)
TGT_HI = N - RIDX

RA, CA = 38912, 512
BA = 1024

NC, NS = 2, 16
NW = NC * NS
PER_TILE = N // NW
TROWS = RA // NW
CROWS = 16
CHUNK = CROWS * CA
NCH = TROWS // CROWS
HR, HC = 512, 128
HBINS = HR * HC

RB = 1216
NB = RA // 4 // RB


def _take16(v, idx):
    return lax.gather(
        v,
        idx[:, None],
        lax.GatherDimensionNumbers(
            offset_dims=(), collapsed_slice_dims=(0,), start_index_map=(0,)
        ),
        slice_sizes=(1,),
        mode=lax.GatherScatterMode.PROMISE_IN_BOUNDS,
    )


_SC_PARAMS = pltpu.CompilerParams(
    use_tc_tiling_on_sc=False, needs_layout_passes=False
)


def _mesh():
    return plsc.VectorSubcoreMesh(
        core_axis_name="c", subcore_axis_name="s", num_cores=NC, num_subcores=NS
    )


def _loss_body(x_ref, y_ref, o_ref):
    x = x_ref[...]
    y = y_ref[...]
    r = jnp.maximum(x, 0.0) - x * y + jnp.log1p(jnp.exp(-jnp.abs(x)))
    o_ref[...] = r.reshape(BA * CA)


_loss_call = pl.pallas_call(
    _loss_body,
    grid=(RA // BA,),
    in_specs=[
        pl.BlockSpec((BA, CA), lambda i: (i, 0)),
        pl.BlockSpec((BA, CA), lambda i: (i, 0)),
    ],
    out_specs=pl.BlockSpec((BA * CA,), lambda i: (i,)),
    out_shape=jax.ShapeDtypeStruct((N,), jnp.float32),
)


STR = HBINS // NS


def _zero_hist(hist_v):
    zero16 = jnp.zeros((16,), jnp.int32)

    def _z(i, _):
        hist_v[pl.ds(i * 16, 16)] = zero16
        return 0

    lax.fori_loop(0, HBINS // 16, _z, 0)


def _hist_stream(loss_ref, base, d0, d1, sem0, sem1, process):
    pltpu.async_copy(loss_ref.at[pl.ds(base, CHUNK)], d0, sem0)
    pltpu.async_copy(loss_ref.at[pl.ds(base + CHUNK, CHUNK)], d1, sem1)

    def _pair(g, _):
        off = base + 2 * g * CHUNK
        pltpu.make_async_copy(loss_ref.at[pl.ds(off, CHUNK)], d0, sem0).wait()
        process(d0)
        pltpu.async_copy(loss_ref.at[pl.ds(off + 2 * CHUNK, CHUNK)], d0, sem0)
        pltpu.make_async_copy(
            loss_ref.at[pl.ds(off + CHUNK, CHUNK)], d1, sem1
        ).wait()
        process(d1)
        pltpu.async_copy(loss_ref.at[pl.ds(off + 3 * CHUNK, CHUNK)], d1, sem1)
        return 0

    lax.fori_loop(0, NCH // 2 - 1, _pair, 0)
    tail = base + (NCH - 2) * CHUNK
    pltpu.make_async_copy(loss_ref.at[pl.ds(tail, CHUNK)], d0, sem0).wait()
    process(d0)
    pltpu.make_async_copy(loss_ref.at[pl.ds(tail + CHUNK, CHUNK)], d1, sem1).wait()
    process(d1)


def _hist_hi_body(loss_ref, out_ref, d0, d1, hist_v, sem0, sem1):
    c = lax.axis_index("c")
    s = lax.axis_index("s")
    wid = s * NC + c
    _zero_hist(hist_v)

    ones = jnp.ones((16,), jnp.int32)

    def _process(buf):
        @plsc.parallel_loop(0, CHUNK // 16, unroll=8)
        def _vec(j):
            v = plsc.bitcast(buf[pl.ds(j * 16, 16)], jnp.int32)
            plsc.addupdate_scatter(
                hist_v, [lax.shift_right_logical(v, 16)], ones
            )

    _hist_stream(loss_ref, wid * PER_TILE, d0, d1, sem0, sem1, _process)
    pltpu.sync_copy(hist_v, out_ref.at[wid])


_hist_hi = pl.kernel(
    _hist_hi_body,
    out_type=jax.ShapeDtypeStruct((NW, HBINS), jnp.int32),
    mesh=_mesh(),
    compiler_params=_SC_PARAMS,
    scratch_types=[
        pltpu.VMEM((CHUNK,), jnp.float32),
        pltpu.VMEM((CHUNK,), jnp.float32),
        pltpu.VMEM((HBINS,), jnp.int32),
        pltpu.SemaphoreType.DMA,
        pltpu.SemaphoreType.DMA,
    ],
)


def _hist_lo_body(loss_ref, outc_ref, out_ref, d0, d1, hist_v, meta_v, sem0, sem1):
    c = lax.axis_index("c")
    s = lax.axis_index("s")
    wid = s * NC + c
    _zero_hist(hist_v)
    pltpu.sync_copy(outc_ref.at[pl.ds(0, 16)], meta_v)
    b_vec = meta_v[pl.ds(0, 16)]

    ones = jnp.ones((16,), jnp.int32)

    def _process(buf):
        @plsc.parallel_loop(0, CHUNK // 16, unroll=8)
        def _vec(j):
            v = plsc.bitcast(buf[pl.ds(j * 16, 16)], jnp.int32)
            hi = lax.shift_right_logical(v, 16)
            lo = lax.bitwise_and(v, 0xFFFF)
            plsc.addupdate_scatter(hist_v, [lo], ones, mask=hi == b_vec)

    _hist_stream(loss_ref, wid * PER_TILE, d0, d1, sem0, sem1, _process)
    pltpu.sync_copy(hist_v, out_ref.at[wid])


_hist_lo = pl.kernel(
    _hist_lo_body,
    out_type=jax.ShapeDtypeStruct((NW, HBINS), jnp.int32),
    mesh=_mesh(),
    compiler_params=_SC_PARAMS,
    scratch_types=[
        pltpu.VMEM((CHUNK,), jnp.float32),
        pltpu.VMEM((CHUNK,), jnp.float32),
        pltpu.VMEM((HBINS,), jnp.int32),
        pltpu.VMEM((16,), jnp.int32),
        pltpu.SemaphoreType.DMA,
        pltpu.SemaphoreType.DMA,
    ],
)


def _reduce_stripes(hists_ref, s, acc_v, tmp_v, shared):
    sb = s * STR
    pltpu.sync_copy(hists_ref.at[0, pl.ds(sb, STR)], acc_v)

    def _slot(k, _):
        pltpu.sync_copy(hists_ref.at[k, pl.ds(sb, STR)], tmp_v)

        def _add(j, _):
            acc_v[pl.ds(j * 16, 16)] += tmp_v[pl.ds(j * 16, 16)]
            return 0

        return lax.fori_loop(0, STR // 16, _add, 0)

    lax.fori_loop(1, NW, _slot, 0)
    pltpu.sync_copy(acc_v, shared.at[pl.ds(sb, STR)])


def _scan_combined(t_vec, tmp_v, shared):
    fifteen = jnp.full((16,), 15, jnp.int32)

    def _chunk(k, carry):
        pltpu.sync_copy(shared.at[pl.ds(k * STR, STR)], tmp_v)

        def _vec(j, carry2):
            total, found, b, pb, hb = carry2
            v = tmp_v[pl.ds(j * 16, 16)]
            sc = plsc.cumsum(v)
            cc = sc + total
            ge = cc >= t_vec
            npc = plsc.all_reduce_population_count(ge)
            anyv = npc > 0
            ffs = plsc.all_reduce_ffs(ge)
            idx_safe = jnp.minimum(ffs, fifteen)
            event = jnp.logical_and(anyv, jnp.logical_not(found))
            binbase = (k * (STR // 16) + j) * 16
            b = jnp.where(event, ffs + binbase, b)
            pb = jnp.where(event, _take16(cc, idx_safe), pb)
            hb = jnp.where(event, _take16(v, idx_safe), hb)
            found = jnp.logical_or(found, anyv)
            total = _take16(cc, fifteen)
            return total, found, b, pb, hb

        return lax.fori_loop(0, STR // 16, _vec, carry)

    zi = jnp.zeros((16,), jnp.int32)
    init = (zi, jnp.zeros((16,), jnp.bool_), zi, zi, zi)
    total, found, b, pb, hb = lax.fori_loop(0, NS, _chunk, init)
    return b, pb, hb


def _scan_hi_body(hists_ref, out_ref, acc_v, tmp_v, stage_v, shared):
    c = lax.axis_index("c")
    s = lax.axis_index("s")

    @pl.when(c == 0)
    def _():
        _reduce_stripes(hists_ref, s, acc_v, tmp_v, shared)

    plsc.subcore_barrier()

    @pl.when(jnp.logical_and(c == 0, s == 0))
    def _():
        t_vec = jnp.full((16,), TGT_HI, jnp.int32)
        b, pb, hb = _scan_combined(t_vec, tmp_v, shared)
        tp = hb - pb + t_vec
        stage_v[pl.ds(0, 16)] = b
        stage_v[pl.ds(16, 16)] = tp
        pltpu.sync_copy(stage_v, out_ref)


_scan_hi = pl.kernel(
    _scan_hi_body,
    out_type=jax.ShapeDtypeStruct((2 * 16,), jnp.int32),
    mesh=_mesh(),
    compiler_params=_SC_PARAMS,
    scratch_types=[
        pltpu.VMEM((STR,), jnp.int32),
        pltpu.VMEM((STR,), jnp.int32),
        pltpu.VMEM((2 * 16,), jnp.int32),
        pltpu.VMEM_SHARED((HBINS,), jnp.int32),
    ],
)


def _scan_lo_body(hists_ref, outc_ref, out_ref, acc_v, tmp_v, meta_v, stage_v, shared):
    c = lax.axis_index("c")
    s = lax.axis_index("s")

    @pl.when(c == 0)
    def _():
        _reduce_stripes(hists_ref, s, acc_v, tmp_v, shared)

    plsc.subcore_barrier()

    @pl.when(jnp.logical_and(c == 0, s == 0))
    def _():
        pltpu.sync_copy(outc_ref, meta_v)
        b_vec = meta_v[pl.ds(0, 16)]
        t_vec = meta_v[pl.ds(16, 16)]
        l, _pb, _hb = _scan_combined(t_vec, tmp_v, shared)
        bits = jnp.bitwise_or(jnp.left_shift(b_vec, 16), l)
        stage_v[pl.ds(0, 16)] = plsc.bitcast(bits, jnp.float32)
        pltpu.sync_copy(stage_v, out_ref)


_scan_lo = pl.kernel(
    _scan_lo_body,
    out_type=jax.ShapeDtypeStruct((16,), jnp.float32),
    mesh=_mesh(),
    compiler_params=_SC_PARAMS,
    scratch_types=[
        pltpu.VMEM((STR,), jnp.int32),
        pltpu.VMEM((STR,), jnp.int32),
        pltpu.VMEM((2 * 16,), jnp.int32),
        pltpu.VMEM((16,), jnp.float32),
        pltpu.VMEM_SHARED((HBINS,), jnp.int32),
    ],
)


def _reduce_body(t_ref, loss_ref, o_ref, acc_s, acc_c):
    j = pl.program_id(1)
    t = t_ref[0, 0]
    blk = loss_ref[...].reshape(RB * CA // HC, HC)
    m = blk > t
    ps = jnp.sum(jnp.where(m, blk, 0.0), axis=0, keepdims=True)
    pc = jnp.sum(m.astype(jnp.float32), axis=0, keepdims=True)

    @pl.when(j == 0)
    def _():
        acc_s[...] = ps
        acc_c[...] = pc

    @pl.when(j > 0)
    def _():
        acc_s[...] += ps
        acc_c[...] += pc

    @pl.when(j == pl.num_programs(1) - 1)
    def _():
        ts = jnp.sum(acc_s[...])
        tc = jnp.sum(acc_c[...])
        b = pl.program_id(0)
        o_ref[pl.ds(b, 1), :] = jnp.full((1, HC), ts / tc, jnp.float32)


_reduce_call = pl.pallas_call(
    _reduce_body,
    grid=(4, NB),
    in_specs=[
        pl.BlockSpec(memory_space=pltpu.SMEM),
        pl.BlockSpec((RB * CA,), lambda b, j: (b * NB + j,)),
    ],
    out_specs=pl.BlockSpec((4, HC), lambda b, j: (0, 0)),
    out_shape=jax.ShapeDtypeStruct((4, HC), jnp.float32),
    scratch_shapes=[
        pltpu.VMEM((1, HC), jnp.float32),
        pltpu.VMEM((1, HC), jnp.float32),
    ],
)


def kernel(logits, target):
    x = logits.reshape(RA, CA)
    y = target.reshape(RA, CA)
    loss = _loss_call(x, y)
    hh = _hist_hi(loss)
    outc = _scan_hi(hh)
    hl = _hist_lo(loss, outc)
    oute = _scan_lo(hl, outc)
    t_s = oute[0].reshape(1, 1)
    om = _reduce_call(t_s, loss)
    return om[:, 0]

# --- scband reference (transcript-rebuilt; emitter-appended) ---
"""Pipeline reference for scband-limited-loss-ohem-cross-entropy-76733885710775 (READ-ONLY COPY).

The authoritative reference and input builder live on the scoring server;
editing this copy changes nothing except your own understanding.
"""

import jax, jax.numpy as jnp
import numpy as np

MAX_KEPT = 0.001

def bce_with_logits(x, y):
    # stable elementwise BCEWithLogitsLoss (reduction='none', weight=None)
    return jnp.maximum(x, 0.0) - x * y + jnp.log1p(jnp.exp(-jnp.abs(x)))

def setup_inputs(seed: int = 0) -> dict:
    key = jax.random.key(seed)
    k1, k2 = jax.random.split(key)
    logits = jax.random.normal(k1, (4, 19, 512, 512), dtype=jnp.float32)
    target = jax.random.uniform(k2, (4, 19, 512, 512), dtype=jnp.float32)
    return {"logits": logits, "target": target}

def reference(logits, target):
    pixel_losses = bce_with_logits(logits, target)
    # flatten and sort descending
    pl_flat = jnp.sort(pixel_losses.reshape(-1))[::-1]
    numel = int(np.prod(logits.shape))
    idx = min(int(MAX_KEPT * numel), numel - 1)
    threshold = pl_flat[idx]
    pl = pixel_losses.reshape(pixel_losses.shape[0], -1)
    hard_mask = (pl > threshold).astype(pl.dtype)
    pl = pl * hard_mask
    if pl.shape[1] > 1:
        out = jnp.sum(pl, axis=1) / jnp.sum(hard_mask, axis=1)
    else:
        out = jnp.sum(pl, axis=1)
    return out

if __name__ == "__main__":
    import jax
    _d = setup_inputs()
    print(jax.jit(kernel)(*tuple(_d.values())))

</pallas_src>

<mosaic_0001>
#map = affine_map<(d0, d1) -> (0, 0)>
#map1 = affine_map<(d0, d1) -> (0)>
module attributes {stable_mosaic.version = 14 : i64} {
  func.func @_scan_lo_body(%arg0: i32, %arg1: i32, %arg2: memref<32x65536xi32, #tpu.memory_space<hbm>>, %arg3: memref<32xi32, #tpu.memory_space<hbm>>, %arg4: memref<16xf32, #tpu.memory_space<hbm>>, %arg5: memref<4096xi32, #tpu.memory_space<vmem>>, %arg6: memref<4096xi32, #tpu.memory_space<vmem>>, %arg7: memref<32xi32, #tpu.memory_space<vmem>>, %arg8: memref<16xf32, #tpu.memory_space<vmem>>, %arg9: memref<65536xi32, #tpu.memory_space<vmem_shared>>) attributes {dimension_semantics = [#tpu.dimension_semantics<core_parallel>, #tpu.dimension_semantics<subcore_parallel>], iteration_bounds = array<i64: 2, 16>, scalar_prefetch = 0 : i64, scratch_operands = 5 : i64, tpu.core_type = #tpu.core_type<sc_vector_subcore>, window_params = [{transform_indices = #map}, {transform_indices = #map1}, {transform_indices = #map1}]} {
    %eq3A = arith.constant 0 : i32
    %eq3A_0 = arith.cmpi eq, %arg0, %eq3A : i32
    %convert_element_type3A = arith.extui %eq3A_0 : i1 to i32
    %cond3A = arith.constant 0 : i32
    %cond3A_1 = arith.cmpi ne, %convert_element_type3A, %cond3A : i32
    scf.if %cond3A_1 {
      %mul3A = arith.constant 4096 : i32
      %mul3A_9 = arith.muli %arg1, %mul3A : i32
      %run_scoped3A = arith.constant 0 : i32
      "tpu.region"() ({
        %run_scoped3A_16 = tpu.sem_alloc : memref<!tpu.dma_semaphore, #tpu.memory_space<semaphore_mem>>
        %dma_start3A = tpu.memref_slice %arg2[%run_scoped3A, %mul3A_9] : memref<32x65536xi32, #tpu.memory_space<hbm>> -> memref<1x4096xi32, #tpu.memory_space<hbm>>
        %dma_start3A_17 = tpu.memref_squeeze %dma_start3A : memref<1x4096xi32, #tpu.memory_space<hbm>> -> memref<4096xi32, #tpu.memory_space<hbm>>
        %dma_start3A_18 = tpu.memref_slice %arg2[%run_scoped3A, %mul3A_9] : memref<32x65536xi32, #tpu.memory_space<hbm>> -> memref<1x4096xi32, #tpu.memory_space<hbm>>
        %dma_start3A_19 = tpu.memref_squeeze %dma_start3A_18 : memref<1x4096xi32, #tpu.memory_space<hbm>> -> memref<4096xi32, #tpu.memory_space<hbm>>
        tpu.enqueue_dma source(%dma_start3A_19 : memref<4096xi32, #tpu.memory_space<hbm>>) target(%arg5 : memref<4096xi32, #tpu.memory_space<vmem>>) target_semaphore(%run_scoped3A_16 : memref<!tpu.dma_semaphore, #tpu.memory_space<semaphore_mem>>)
        %dma_wait3A = tpu.memref_slice %arg2[%run_scoped3A, %mul3A_9] : memref<32x65536xi32, #tpu.memory_space<hbm>> -> memref<1x4096xi32, #tpu.memory_space<hbm>>
        %dma_wait3A_20 = tpu.memref_squeeze %dma_wait3A : memref<1x4096xi32, #tpu.memory_space<hbm>> -> memref<4096xi32, #tpu.memory_space<hbm>>
        %dma_wait3A_21 = tpu.memref_slice %arg2[%run_scoped3A, %mul3A_9] : memref<32x65536xi32, #tpu.memory_space<hbm>> -> memref<1x4096xi32, #tpu.memory_space<hbm>>
        %dma_wait3A_22 = tpu.memref_squeeze %dma_wait3A_21 : memref<1x4096xi32, #tpu.memory_space<hbm>> -> memref<4096xi32, #tpu.memory_space<hbm>>
        tpu.wait_dma2 semaphore(%run_scoped3A_16 : memref<!tpu.dma_semaphore, #tpu.memory_space<semaphore_mem>>) src(%dma_wait3A_22 : memref<4096xi32, #tpu.memory_space<hbm>>) dst(%arg5 : memref<4096xi32, #tpu.memory_space<vmem>>)
        tpu.yield
      }) : () -> ()
      %scan3A = arith.constant 0 : i32
      %scan3A_10 = arith.constant 1 : i32
      %scan3A_11 = arith.constant 31 : i32
      %scan3A_12 = arith.addi %scan3A_10, %scan3A_11 : i32
      %scan3A_13 = arith.constant 1 : i32
      %scan3A_14 = scf.for %scan3A_16 = %scan3A_10 to %scan3A_12 step %scan3A_13 iter_args(%scan3A_17 = %scan3A) -> (i32)  : i32 {
        "tpu.region"() ({
          %run_scoped3A_25 = tpu.sem_alloc : memref<!tpu.dma_semaphore, #tpu.memory_space<semaphore_mem>>
          %dma_start3A = tpu.memref_slice %arg2[%scan3A_16, %mul3A_9] : memref<32x65536xi32, #tpu.memory_space<hbm>> -> memref<1x4096xi32, #tpu.memory_space<hbm>>
          %dma_start3A_26 = tpu.memref_squeeze %dma_start3A : memref<1x4096xi32, #tpu.memory_space<hbm>> -> memref<4096xi32, #tpu.memory_space<hbm>>
          %dma_start3A_27 = tpu.memref_slice %arg2[%scan3A_16, %mul3A_9] : memref<32x65536xi32, #tpu.memory_space<hbm>> -> memref<1x4096xi32, #tpu.memory_space<hbm>>
          %dma_start3A_28 = tpu.memref_squeeze %dma_start3A_27 : memref<1x4096xi32, #tpu.memory_space<hbm>> -> memref<4096xi32, #tpu.memory_space<hbm>>
          tpu.enqueue_dma source(%dma_start3A_28 : memref<4096xi32, #tpu.memory_space<hbm>>) target(%arg6 : memref<4096xi32, #tpu.memory_space<vmem>>) target_semaphore(%run_scoped3A_25 : memref<!tpu.dma_semaphore, #tpu.memory_space<semaphore_mem>>)
          %dma_wait3A = tpu.memref_slice %arg2[%scan3A_16, %mul3A_9] : memref<32x65536xi32, #tpu.memory_space<hbm>> -> memref<1x4096xi32, #tpu.memory_space<hbm>>
          %dma_wait3A_29 = tpu.memref_squeeze %dma_wait3A : memref<1x4096xi32, #tpu.memory_space<hbm>> -> memref<4096xi32, #tpu.memory_space<hbm>>
          %dma_wait3A_30 = tpu.memref_slice %arg2[%scan3A_16, %mul3A_9] : memref<32x65536xi32, #tpu.memory_space<hbm>> -> memref<1x4096xi32, #tpu.memory_space<hbm>>
          %dma_wait3A_31 = tpu.memref_squeeze %dma_wait3A_30 : memref<1x4096xi32, #tpu.memory_space<hbm>> -> memref<4096xi32, #tpu.memory_space<hbm>>
          tpu.wait_dma2 semaphore(%run_scoped3A_25 : memref<!tpu.dma_semaphore, #tpu.memory_space<semaphore_mem>>) src(%dma_wait3A_31 : memref<4096xi32, #tpu.memory_space<hbm>>) dst(%arg6 : memref<4096xi32, #tpu.memory_space<vmem>>)
          tpu.yield
        }) : () -> ()
        %scan3A_18 = arith.constant 0 : i32
        %scan3A_19 = arith.constant 0 : i32
        %scan3A_20 = arith.constant 256 : i32
        %scan3A_21 = arith.addi %scan3A_19, %scan3A_20 : i32
        %scan3A_22 = arith.constant 1 : i32
        %scan3A_23 = scf.for %scan3A_25 = %scan3A_19 to %scan3A_21 step %scan3A_22 iter_args(%scan3A_26 = %scan3A_18) -> (i32)  : i32 {
          %mul3A_27 = arith.constant 16 : i32
          %mul3A_28 = arith.muli %scan3A_25, %mul3A_27 : i32
          %get3A = arith.index_cast %mul3A_28 : i32 to index
          %get3A_29 = tpu.vector_load %arg5[%get3A] {strides = array<i32>} : memref<4096xi32, #tpu.memory_space<vmem>>, vector<16xi32>,
          %mul3A_30 = arith.constant 16 : i32
          %mul3A_31 = arith.muli %scan3A_25, %mul3A_30 : i32
          %get3A_32 = arith.index_cast %mul3A_31 : i32 to index
          %get3A_33 = tpu.vector_load %arg6[%get3A_32] {strides = array<i32>} : memref<4096xi32, #tpu.memory_space<vmem>>, vector<16xi32>,
          %add3A = arith.addi %get3A_29, %get3A_33 : vector<16xi32>
          %swap3A = arith.index_cast %mul3A_28 : i32 to index
          %swap3A_34 = tpu.vector_load %arg5[%swap3A] {strides = array<i32>} : memref<4096xi32, #tpu.memory_space<vmem>>, vector<16xi32>,
          tpu.vector_store %arg5[%swap3A], %add3A {strides = array<i32>} : memref<4096xi32, #tpu.memory_space<vmem>>, vector<16xi32>,
          %scan3A_35 = arith.constant 0 : i32
          scf.yield %scan3A_35 : i32
        }
        %scan3A_24 = arith.constant 256 : i32
        scf.yield %scan3A_23 : i32
      }
      %scan3A_15 = arith.constant 31 : i32
      "tpu.region"() ({
        %run_scoped3A_16 = tpu.sem_alloc : memref<!tpu.dma_semaphore, #tpu.memory_space<semaphore_mem>>
        %dma_start3A = tpu.memref_slice %arg9[%mul3A_9] : memref<65536xi32, #tpu.memory_space<vmem_shared>> -> memref<4096xi32, #tpu.memory_space<vmem_shared>>
        %dma_start3A_17 = tpu.memref_slice %arg9[%mul3A_9] : memref<65536xi32, #tpu.memory_space<vmem_shared>> -> memref<4096xi32, #tpu.memory_space<vmem_shared>>
        tpu.enqueue_dma source(%arg5 : memref<4096xi32, #tpu.memory_space<vmem>>) target(%dma_start3A_17 : memref<4096xi32, #tpu.memory_space<vmem_shared>>) target_semaphore(%run_scoped3A_16 : memref<!tpu.dma_semaphore, #tpu.memory_space<semaphore_mem>>)
        %dma_wait3A = tpu.memref_slice %arg9[%mul3A_9] : memref<65536xi32, #tpu.memory_space<vmem_shared>> -> memref<4096xi32, #tpu.memory_space<vmem_shared>>
        %dma_wait3A_18 = tpu.memref_slice %arg9[%mul3A_9] : memref<65536xi32, #tpu.memory_space<vmem_shared>> -> memref<4096xi32, #tpu.memory_space<vmem_shared>>
        tpu.wait_dma2 semaphore(%run_scoped3A_16 : memref<!tpu.dma_semaphore, #tpu.memory_space<semaphore_mem>>) src(%arg5 : memref<4096xi32, #tpu.memory_space<vmem>>) dst(%dma_wait3A_18 : memref<4096xi32, #tpu.memory_space<vmem_shared>>)
        tpu.yield
      }) : () -> ()
    } else {
    }
    %barrier3A = arith.constant 0 : index
    tpu.barrier barrier_id(%barrier3A)
    %eq3A_2 = arith.constant 0 : i32
    %eq3A_3 = arith.cmpi eq, %arg0, %eq3A_2 : i32
    %eq3A_4 = arith.constant 0 : i32
    %eq3A_5 = arith.cmpi eq, %arg1, %eq3A_4 : i32
    %and3A = arith.andi %eq3A_3, %eq3A_5 : i1
    %convert_element_type3A_6 = arith.extui %and3A : i1 to i32
    %cond3A_7 = arith.constant 0 : i32
    %cond3A_8 = arith.cmpi ne, %convert_element_type3A_6, %cond3A_7 : i32
    scf.if %cond3A_8 {
      "tpu.region"() ({
        %run_scoped3A = tpu.sem_alloc : memref<!tpu.dma_semaphore, #tpu.memory_space<semaphore_mem>>
        tpu.enqueue_dma source(%arg3 : memref<32xi32, #tpu.memory_space<hbm>>) target(%arg7 : memref<32xi32, #tpu.memory_space<vmem>>) target_semaphore(%run_scoped3A : memref<!tpu.dma_semaphore, #tpu.memory_space<semaphore_mem>>)
        tpu.wait_dma2 semaphore(%run_scoped3A : memref<!tpu.dma_semaphore, #tpu.memory_space<semaphore_mem>>) src(%arg3 : memref<32xi32, #tpu.memory_space<hbm>>) dst(%arg7 : memref<32xi32, #tpu.memory_space<vmem>>)
        tpu.yield
      }) : () -> ()
      %get3A = arith.constant 0 : index
      %get3A_9 = tpu.vector_load %arg7[%get3A] {strides = array<i32>} : memref<32xi32, #tpu.memory_space<vmem>>, vector<16xi32>,
      %get3A_10 = arith.constant 16 : index
      %get3A_11 = tpu.vector_load %arg7[%get3A_10] {strides = array<i32>} : memref<32xi32, #tpu.memory_space<vmem>>, vector<16xi32>,
      %broadcast_in_dim3A = arith.constant 15 : i32
      %broadcast_in_dim3A_12 = vector.broadcast %broadcast_in_dim3A : i32 to vector<16xi32>
      %broadcast_in_dim3A_13 = arith.constant 0 : i32
      %broadcast_in_dim3A_14 = vector.broadcast %broadcast_in_dim3A_13 : i32 to vector<16xi32>
      %broadcast_in_dim3A_15 = arith.constant false
      %broadcast_in_dim3A_16 = vector.broadcast %broadcast_in_dim3A_15 : i1 to vector<16xi1>
      %scan3A = arith.constant 0 : i32
      %scan3A_17 = arith.constant 16 : i32
      %scan3A_18 = arith.addi %scan3A, %scan3A_17 : i32
      %scan3A_19 = arith.constant 1 : i32
      %scan3A_20:5 = scf.for %scan3A_25 = %scan3A to %scan3A_18 step %scan3A_19 iter_args(%scan3A_26 = %broadcast_in_dim3A_14, %scan3A_27 = %broadcast_in_dim3A_16, %scan3A_28 = %broadcast_in_dim3A_14, %scan3A_29 = %broadcast_in_dim3A_14, %scan3A_30 = %broadcast_in_dim3A_14) -> (vector<16xi32>, vector<16xi1>, vector<16xi32>, vector<16xi32>, vector<16xi32>)  : i32 {
        %mul3A = arith.constant 4096 : i32
        %mul3A_31 = arith.muli %scan3A_25, %mul3A : i32
        "tpu.region"() ({
          %run_scoped3A = tpu.sem_alloc : memref<!tpu.dma_semaphore, #tpu.memory_space<semaphore_mem>>
          %dma_start3A = tpu.memref_slice %arg9[%mul3A_31] : memref<65536xi32, #tpu.memory_space<vmem_shared>> -> memref<4096xi32, #tpu.memory_space<vmem_shared>>
          %dma_start3A_38 = tpu.memref_slice %arg9[%mul3A_31] : memref<65536xi32, #tpu.memory_space<vmem_shared>> -> memref<4096xi32, #tpu.memory_space<vmem_shared>>
          tpu.enqueue_dma source(%dma_start3A_38 : memref<4096xi32, #tpu.memory_space<vmem_shared>>) target(%arg6 : memref<4096xi32, #tpu.memory_space<vmem>>) target_semaphore(%run_scoped3A : memref<!tpu.dma_semaphore, #tpu.memory_space<semaphore_mem>>)
          %dma_wait3A = tpu.memref_slice %arg9[%mul3A_31] : memref<65536xi32, #tpu.memory_space<vmem_shared>> -> memref<4096xi32, #tpu.memory_space<vmem_shared>>
          %dma_wait3A_39 = tpu.memref_slice %arg9[%mul3A_31] : memref<65536xi32, #tpu.memory_space<vmem_shared>> -> memref<4096xi32, #tpu.memory_space<vmem_shared>>
          tpu.wait_dma2 semaphore(%run_scoped3A : memref<!tpu.dma_semaphore, #tpu.memory_space<semaphore_mem>>) src(%dma_wait3A_39 : memref<4096xi32, #tpu.memory_space<vmem_shared>>) dst(%arg6 : memref<4096xi32, #tpu.memory_space<vmem>>)
          tpu.yield
        }) : () -> ()
        %scan3A_32 = arith.constant 0 : i32
        %scan3A_33 = arith.constant 256 : i32
        %scan3A_34 = arith.addi %scan3A_32, %scan3A_33 : i32
        %scan3A_35 = arith.constant 1 : i32
        %scan3A_36:5 = scf.for %scan3A_38 = %scan3A_32 to %scan3A_34 step %scan3A_35 iter_args(%scan3A_39 = %scan3A_26, %scan3A_40 = %scan3A_27, %scan3A_41 = %scan3A_28, %scan3A_42 = %scan3A_29, %scan3A_43 = %scan3A_30) -> (vector<16xi32>, vector<16xi1>, vector<16xi32>, vector<16xi32>, vector<16xi32>)  : i32 {
          %mul3A_44 = arith.constant 16 : i32
          %mul3A_45 = arith.muli %scan3A_38, %mul3A_44 : i32
          %get3A_46 = arith.index_cast %mul3A_45 : i32 to index
          %get3A_47 = tpu.vector_load %arg6[%get3A_46] {strides = array<i32>} : memref<4096xi32, #tpu.memory_space<vmem>>, vector<16xi32>,
          %broadcast_in_dim3A_48 = arith.constant true
          %broadcast_in_dim3A_49 = vector.broadcast %broadcast_in_dim3A_48 : i1 to vector<16xi1>
          %masked_cumsum3A = tpu.scan <sum>, %get3A_47 masked %broadcast_in_dim3A_49 : vector<16xi32>, vector<16xi1> -> vector<16xi32>
          %add3A = arith.addi %masked_cumsum3A, %scan3A_39 : vector<16xi32>
          %ge3A = arith.cmpi sge, %add3A, %get3A_11 : vector<16xi32>
          %all_reduce_population_count3A = tpu.all_reduce %ge3A {dim = 0 : i64, kind = #tpu.reduction_kind<sum>} : vector<16xi1> -> vector<16xi32>
          %gt3A = arith.constant 0 : i32
          %gt3A_50 = vector.broadcast %gt3A : i32 to vector<16xi32>
          %gt3A_51 = arith.cmpi sgt, %all_reduce_population_count3A, %gt3A_50 : vector<16xi32>
          %all_reduce_ffs3A = tpu.all_reduce %ge3A {dim = 0 : i64, kind = #tpu.reduction_kind<find_first_set>} : vector<16xi1> -> vector<16xi32>
          %min3A = arith.minsi %all_reduce_ffs3A, %broadcast_in_dim3A_12 : vector<16xi32>
          %not3A = arith.constant dense<true> : vector<16xi1>
          %not3A_52 = arith.xori %scan3A_40, %not3A : vector<16xi1>
          %and3A_53 = arith.andi %gt3A_51, %not3A_52 : vector<16xi1>
          %mul3A_54 = arith.constant 256 : i32
          %mul3A_55 = arith.muli %scan3A_25, %mul3A_54 : i32
          %add3A_56 = arith.addi %mul3A_55, %scan3A_38 : i32
          %mul3A_57 = arith.constant 16 : i32
          %mul3A_58 = arith.muli %add3A_56, %mul3A_57 : i32
          %add3A_59 = vector.broadcast %mul3A_58 : i32 to vector<16xi32>
          %add3A_60 = arith.addi %all_reduce_ffs3A, %add3A_59 : vector<16xi32>
          %select_n3A = arith.select %and3A_53, %add3A_60, %scan3A_41 : vector<16xi1>, vector<16xi32>
          %broadcast_in_dim3A_61 = vector.shape_cast %min3A : vector<16xi32> to vector<16x1xi32>
          %gather3A = vector.shape_cast %broadcast_in_dim3A_61 : vector<16x1xi32> to vector<16xi32>
          %gather3A_62 = tpu.dynamic_gather %add3A[%gather3A] in [0] : vector<16xi32>, vector<16xi32> -> vector<16xi32>
          %select_n3A_63 = arith.select %and3A_53, %gather3A_62, %scan3A_42 : vector<16xi1>, vector<16xi32>
          %broadcast_in_dim3A_64 = vector.shape_cast %min3A : vector<16xi32> to vector<16x1xi32>
          %gather3A_65 = vector.shape_cast %broadcast_in_dim3A_64 : vector<16x1xi32> to vector<16xi32>
          %gather3A_66 = tpu.dynamic_gather %get3A_47[%gather3A_65] in [0] : vector<16xi32>, vector<16xi32> -> vector<16xi32>
          %select_n3A_67 = arith.select %and3A_53, %gather3A_66, %scan3A_43 : vector<16xi1>, vector<16xi32>
          %or3A_68 = arith.ori %scan3A_40, %gt3A_51 : vector<16xi1>
          %broadcast_in_dim3A_69 = vector.shape_cast %broadcast_in_dim3A_12 : vector<16xi32> to vector<16x1xi32>
          %gather3A_70 = vector.shape_cast %broadcast_in_dim3A_69 : vector<16x1xi32> to vector<16xi32>
          %gather3A_71 = tpu.dynamic_gather %add3A[%gather3A_70] in [0] : vector<16xi32>, vector<16xi32> -> vector<16xi32>
          scf.yield %gather3A_71, %or3A_68, %select_n3A, %select_n3A_63, %select_n3A_67 : vector<16xi32>, vector<16xi1>, vector<16xi32>, vector<16xi32>, vector<16xi32>
        }
        %scan3A_37 = arith.constant 256 : i32
        scf.yield %scan3A_36#0, %scan3A_36#1, %scan3A_36#2, %scan3A_36#3, %scan3A_36#4 : vector<16xi32>, vector<16xi1>, vector<16xi32>, vector<16xi32>, vector<16xi32>
      }
      %scan3A_21 = arith.constant 16 : i32
      %shift_left3A = arith.constant 16 : i32
      %shift_left3A_22 = vector.broadcast %shift_left3A : i32 to vector<16xi32>
      %shift_left3A_23 = arith.shli %get3A_9, %shift_left3A_22 : vector<16xi32>
      %or3A = arith.ori %shift_left3A_23, %scan3A_20#2 : vector<16xi32>
      %bitcast3A = vector.bitcast %or3A : vector<16xi32> to vector<16xf32>
      %swap3A = arith.constant 0 : index
      %swap3A_24 = tpu.vector_load %arg8[%swap3A] {strides = array<i32>} : memref<16xf32, #tpu.memory_space<vmem>>, vector<16xf32>,
      tpu.vector_store %arg8[%swap3A], %bitcast3A {strides = array<i32>} : memref<16xf32, #tpu.memory_space<vmem>>, vector<16xf32>,
      "tpu.region"() ({
        %run_scoped3A = tpu.sem_alloc : memref<!tpu.dma_semaphore, #tpu.memory_space<semaphore_mem>>
        tpu.enqueue_dma source(%arg8 : memref<16xf32, #tpu.memory_space<vmem>>) target(%arg4 : memref<16xf32, #tpu.memory_space<hbm>>) target_semaphore(%run_scoped3A : memref<!tpu.dma_semaphore, #tpu.memory_space<semaphore_mem>>)
        tpu.wait_dma2 semaphore(%run_scoped3A : memref<!tpu.dma_semaphore, #tpu.memory_space<semaphore_mem>>) src(%arg8 : memref<16xf32, #tpu.memory_space<vmem>>) dst(%arg4 : memref<16xf32, #tpu.memory_space<hbm>>)
        tpu.yield
      }) : () -> ()
    } else {
    }
    return
  }
}

#map = affine_map<(d0, d1) -> (0)>
#map1 = affine_map<(d0, d1) -> (0, 0)>
module attributes {stable_mosaic.version = 14 : i64} {
  func.func @_hist_hi_body(%arg0: i32, %arg1: i32, %arg2: memref<19922944xf32, #tpu.memory_space<hbm>>, %arg3: memref<32x65536xi32, #tpu.memory_space<hbm>>, %arg4: memref<8192xf32, #tpu.memory_space<vmem>>, %arg5: memref<8192xf32, #tpu.memory_space<vmem>>, %arg6: memref<65536xi32, #tpu.memory_space<vmem>>, %arg7: memref<!tpu.dma_semaphore, #tpu.memory_space<semaphore_mem>>, %arg8: memref<!tpu.dma_semaphore, #tpu.memory_space<semaphore_mem>>) attributes {dimension_semantics = [#tpu.dimension_semantics<core_parallel>, #tpu.dimension_semantics<subcore_parallel>], iteration_bounds = array<i64: 2, 16>, scalar_prefetch = 0 : i64, scratch_operands = 5 : i64, tpu.core_type = #tpu.core_type<sc_vector_subcore>, window_params = [{transform_indices = #map}, {transform_indices = #map1}]} {
    %mul3A = arith.constant 2 : i32
    %mul3A_0 = arith.muli %arg1, %mul3A : i32
    %add3A = arith.addi %mul3A_0, %arg0 : i32
    %broadcast_in_dim3A = arith.constant 0 : i32
    %broadcast_in_dim3A_1 = vector.broadcast %broadcast_in_dim3A : i32 to vector<16xi32>
    %scan3A = arith.constant 0 : i32
    %scan3A_2 = arith.constant 0 : i32
    %scan3A_3 = arith.constant 4096 : i32
    %scan3A_4 = arith.addi %scan3A_2, %scan3A_3 : i32
    %scan3A_5 = arith.constant 1 : i32
    %scan3A_6 = scf.for %scan3A_36 = %scan3A_2 to %scan3A_4 step %scan3A_5 iter_args(%scan3A_37 = %scan3A) -> (i32)  : i32 {
      %mul3A_38 = arith.constant 16 : i32
      %mul3A_39 = arith.muli %scan3A_36, %mul3A_38 : i32
      %swap3A = arith.index_cast %mul3A_39 : i32 to index
      %swap3A_40 = tpu.vector_load %arg6[%swap3A] {strides = array<i32>} : memref<65536xi32, #tpu.memory_space<vmem>>, vector<16xi32>,
      tpu.vector_store %arg6[%swap3A], %broadcast_in_dim3A_1 {strides = array<i32>} : memref<65536xi32, #tpu.memory_space<vmem>>, vector<16xi32>,
      %scan3A_41 = arith.constant 0 : i32
      scf.yield %scan3A_41 : i32
    }
    %scan3A_7 = arith.constant 4096 : i32
    %broadcast_in_dim3A_8 = arith.constant 1 : i32
    %broadcast_in_dim3A_9 = vector.broadcast %broadcast_in_dim3A_8 : i32 to vector<16xi32>
    %mul3A_10 = arith.constant 622592 : i32
    %mul3A_11 = arith.muli %add3A, %mul3A_10 : i32
    %dma_start3A = tpu.memref_slice %arg2[%mul3A_11] : memref<19922944xf32, #tpu.memory_space<hbm>> -> memref<8192xf32, #tpu.memory_space<hbm>>
    %dma_start3A_12 = tpu.memref_slice %arg2[%mul3A_11] : memref<19922944xf32, #tpu.memory_space<hbm>> -> memref<8192xf32, #tpu.memory_space<hbm>>
    tpu.enqueue_dma source(%dma_start3A_12 : memref<8192xf32, #tpu.memory_space<hbm>>) target(%arg4 : memref<8192xf32, #tpu.memory_space<vmem>>) target_semaphore(%arg7 : memref<!tpu.dma_semaphore, #tpu.memory_space<semaphore_mem>>)
    %add3A_13 = arith.constant 8192 : i32
    %add3A_14 = arith.addi %mul3A_11, %add3A_13 : i32
    %dma_start3A_15 = tpu.memref_slice %arg2[%add3A_14] : memref<19922944xf32, #tpu.memory_space<hbm>> -> memref<8192xf32, #tpu.memory_space<hbm>>
    %dma_start3A_16 = tpu.memref_slice %arg2[%add3A_14] : memref<19922944xf32, #tpu.memory_space<hbm>> -> memref<8192xf32, #tpu.memory_space<hbm>>
    tpu.enqueue_dma source(%dma_start3A_16 : memref<8192xf32, #tpu.memory_space<hbm>>) target(%arg5 : memref<8192xf32, #tpu.memory_space<vmem>>) target_semaphore(%arg8 : memref<!tpu.dma_semaphore, #tpu.memory_space<semaphore_mem>>)
    %scan3A_17 = arith.constant 0 : i32
    %scan3A_18 = arith.constant 0 : i32
    %scan3A_19 = arith.constant 37 : i32
    %scan3A_20 = arith.addi %scan3A_18, %scan3A_19 : i32
    %scan3A_21 = arith.constant 1 : i32
    %scan3A_22 = scf.for %scan3A_36 = %scan3A_18 to %scan3A_20 step %scan3A_21 iter_args(%scan3A_37 = %scan3A_17) -> (i32)  : i32 {
      %mul3A_38 = arith.constant 2 : i32
      %mul3A_39 = arith.muli %mul3A_38, %scan3A_36 : i32
      %mul3A_40 = arith.constant 8192 : i32
      %mul3A_41 = arith.muli %mul3A_39, %mul3A_40 : i32
      %add3A_42 = arith.addi %mul3A_11, %mul3A_41 : i32
      %dma_wait3A_43 = tpu.memref_slice %arg2[%add3A_42] : memref<19922944xf32, #tpu.memory_space<hbm>> -> memref<8192xf32, #tpu.memory_space<hbm>>
      %dma_wait3A_44 = tpu.memref_slice %arg2[%add3A_42] : memref<19922944xf32, #tpu.memory_space<hbm>> -> memref<8192xf32, #tpu.memory_space<hbm>>
      tpu.wait_dma2 semaphore(%arg7 : memref<!tpu.dma_semaphore, #tpu.memory_space<semaphore_mem>>) src(%dma_wait3A_44 : memref<8192xf32, #tpu.memory_space<hbm>>) dst(%arg4 : memref<8192xf32, #tpu.memory_space<vmem>>)
      %parallel_loop3A_45 = arith.constant 0 : i32
      %parallel_loop3A_46 = arith.constant 512 : i32
      %parallel_loop3A_47 = arith.constant 1 : i32
      scf.for %parallel_loop3A_64 = %parallel_loop3A_45 to %parallel_loop3A_46 step %parallel_loop3A_47  : i32 {
        %parallel_loop3A_65 = arith.constant 16 : i32
        %parallel_loop3A_66 = arith.muli %parallel_loop3A_64, %parallel_loop3A_65 : i32
        %parallel_loop3A_67 = arith.index_cast %parallel_loop3A_66 : i32 to index
        %parallel_loop3A_68 = tpu.vector_load %arg4[%parallel_loop3A_67] {strides = array<i32>} : memref<8192xf32, #tpu.memory_space<vmem>>, vector<16xf32>,
        %parallel_loop3A_69 = vector.bitcast %parallel_loop3A_68 : vector<16xf32> to vector<16xi32>
        %parallel_loop3A_70 = arith.constant 16 : i32
        %parallel_loop3A_71 = vector.broadcast %parallel_loop3A_70 : i32 to vector<16xi32>
        %parallel_loop3A_72 = arith.shrui %parallel_loop3A_69, %parallel_loop3A_71 : vector<16xi32>
        tpu.vector_store_idx %arg6[%parallel_loop3A_72], %broadcast_in_dim3A_9 {add = true} : memref<65536xi32, #tpu.memory_space<vmem>>[vector<16xi32>], vector<16xi32>,
      } {sc.loop_unroll_factor = 8 : i64, sc.parallel_access}
      %add3A_48 = arith.constant 16384 : i32
      %add3A_49 = arith.addi %add3A_42, %add3A_48 : i32
      %dma_start3A_50 = tpu.memref_slice %arg2[%add3A_49] : memref<19922944xf32, #tpu.memory_space<hbm>> -> memref<8192xf32, #tpu.memory_space<hbm>>
      %dma_start3A_51 = tpu.memref_slice %arg2[%add3A_49] : memref<19922944xf32, #tpu.memory_space<hbm>> -> memref<8192xf32, #tpu.memory_space<hbm>>
      tpu.enqueue_dma source(%dma_start3A_51 : memref<8192xf32, #tpu.memory_space<hbm>>) target(%arg4 : memref<8192xf32, #tpu.memory_space<vmem>>) target_semaphore(%arg7 : memref<!tpu.dma_semaphore, #tpu.memory_space<semaphore_mem>>)
      %add3A_52 = arith.constant 8192 : i32
      %add3A_53 = arith.addi %add3A_42, %add3A_52 : i32
      %dma_wait3A_54 = tpu.memref_slice %arg2[%add3A_53] : memref<19922944xf32, #tpu.memory_space<hbm>> -> memref<8192xf32, #tpu.memory_space<hbm>>
      %dma_wait3A_55 = tpu.memref_slice %arg2[%add3A_53] : memref<19922944xf32, #tpu.memory_space<hbm>> -> memref<8192xf32, #tpu.memory_space<hbm>>
      tpu.wait_dma2 semaphore(%arg8 : memref<!tpu.dma_semaphore, #tpu.memory_space<semaphore_mem>>) src(%dma_wait3A_55 : memref<8192xf32, #tpu.memory_space<hbm>>) dst(%arg5 : memref<8192xf32, #tpu.memory_space<vmem>>)
      %parallel_loop3A_56 = arith.constant 0 : i32
      %parallel_loop3A_57 = arith.constant 512 : i32
      %parallel_loop3A_58 = arith.constant 1 : i32
      scf.for %parallel_loop3A_64 = %parallel_loop3A_56 to %parallel_loop3A_57 step %parallel_loop3A_58  : i32 {
        %parallel_loop3A_65 = arith.constant 16 : i32
        %parallel_loop3A_66 = arith.muli %parallel_loop3A_64, %parallel_loop3A_65 : i32
        %parallel_loop3A_67 = arith.index_cast %parallel_loop3A_66 : i32 to index
        %parallel_loop3A_68 = tpu.vector_load %arg5[%parallel_loop3A_67] {strides = array<i32>} : memref<8192xf32, #tpu.memory_space<vmem>>, vector<16xf32>,
        %parallel_loop3A_69 = vector.bitcast %parallel_loop3A_68 : vector<16xf32> to vector<16xi32>
        %parallel_loop3A_70 = arith.constant 16 : i32
        %parallel_loop3A_71 = vector.broadcast %parallel_loop3A_70 : i32 to vector<16xi32>
        %parallel_loop3A_72 = arith.shrui %parallel_loop3A_69, %parallel_loop3A_71 : vector<16xi32>
        tpu.vector_store_idx %arg6[%parallel_loop3A_72], %broadcast_in_dim3A_9 {add = true} : memref<65536xi32, #tpu.memory_space<vmem>>[vector<16xi32>], vector<16xi32>,
      } {sc.loop_unroll_factor = 8 : i64, sc.parallel_access}
      %add3A_59 = arith.constant 24576 : i32
      %add3A_60 = arith.addi %add3A_42, %add3A_59 : i32
      %dma_start3A_61 = tpu.memref_slice %arg2[%add3A_60] : memref<19922944xf32, #tpu.memory_space<hbm>> -> memref<8192xf32, #tpu.memory_space<hbm>>
      %dma_start3A_62 = tpu.memref_slice %arg2[%add3A_60] : memref<19922944xf32, #tpu.memory_space<hbm>> -> memref<8192xf32, #tpu.memory_space<hbm>>
      tpu.enqueue_dma source(%dma_start3A_62 : memref<8192xf32, #tpu.memory_space<hbm>>) target(%arg5 : memref<8192xf32, #tpu.memory_space<vmem>>) target_semaphore(%arg8 : memref<!tpu.dma_semaphore, #tpu.memory_space<semaphore_mem>>)
      %scan3A_63 = arith.constant 0 : i32
      scf.yield %scan3A_63 : i32
    }
    %scan3A_23 = arith.constant 37 : i32
    %add3A_24 = arith.constant 606208 : i32
    %add3A_25 = arith.addi %mul3A_11, %add3A_24 : i32
    %dma_wait3A = tpu.memref_slice %arg2[%add3A_25] : memref<19922944xf32, #tpu.memory_space<hbm>> -> memref<8192xf32, #tpu.memory_space<hbm>>
    %dma_wait3A_26 = tpu.memref_slice %arg2[%add3A_25] : memref<19922944xf32, #tpu.memory_space<hbm>> -> memref<8192xf32, #tpu.memory_space<hbm>>
    tpu.wait_dma2 semaphore(%arg7 : memref<!tpu.dma_semaphore, #tpu.memory_space<semaphore_mem>>) src(%dma_wait3A_26 : memref<8192xf32, #tpu.memory_space<hbm>>) dst(%arg4 : memref<8192xf32, #tpu.memory_space<vmem>>)
    %parallel_loop3A = arith.constant 0 : i32
    %parallel_loop3A_27 = arith.constant 512 : i32
    %parallel_loop3A_28 = arith.constant 1 : i32
    scf.for %parallel_loop3A_36 = %parallel_loop3A to %parallel_loop3A_27 step %parallel_loop3A_28  : i32 {
      %parallel_loop3A_37 = arith.constant 16 : i32
      %parallel_loop3A_38 = arith.muli %parallel_loop3A_36, %parallel_loop3A_37 : i32
      %parallel_loop3A_39 = arith.index_cast %parallel_loop3A_38 : i32 to index
      %parallel_loop3A_40 = tpu.vector_load %arg4[%parallel_loop3A_39] {strides = array<i32>} : memref<8192xf32, #tpu.memory_space<vmem>>, vector<16xf32>,
      %parallel_loop3A_41 = vector.bitcast %parallel_loop3A_40 : vector<16xf32> to vector<16xi32>
      %parallel_loop3A_42 = arith.constant 16 : i32
      %parallel_loop3A_43 = vector.broadcast %parallel_loop3A_42 : i32 to vector<16xi32>
      %parallel_loop3A_44 = arith.shrui %parallel_loop3A_41, %parallel_loop3A_43 : vector<16xi32>
      tpu.vector_store_idx %arg6[%parallel_loop3A_44], %broadcast_in_dim3A_9 {add = true} : memref<65536xi32, #tpu.memory_space<vmem>>[vector<16xi32>], vector<16xi32>,
    } {sc.loop_unroll_factor = 8 : i64, sc.parallel_access}
    %add3A_29 = arith.constant 8192 : i32
    %add3A_30 = arith.addi %add3A_25, %add3A_29 : i32
    %dma_wait3A_31 = tpu.memref_slice %arg2[%add3A_30] : memref<19922944xf32, #tpu.memory_space<hbm>> -> memref<8192xf32, #tpu.memory_space<hbm>>
    %dma_wait3A_32 = tpu.memref_slice %arg2[%add3A_30] : memref<19922944xf32, #tpu.memory_space<hbm>> -> memref<8192xf32, #tpu.memory_space<hbm>>
    tpu.wait_dma2 semaphore(%arg8 : memref<!tpu.dma_semaphore, #tpu.memory_space<semaphore_mem>>) src(%dma_wait3A_32 : memref<8192xf32, #tpu.memory_space<hbm>>) dst(%arg5 : memref<8192xf32, #tpu.memory_space<vmem>>)
    %parallel_loop3A_33 = arith.constant 0 : i32
    %parallel_loop3A_34 = arith.constant 512 : i32
    %parallel_loop3A_35 = arith.constant 1 : i32
    scf.for %parallel_loop3A_36 = %parallel_loop3A_33 to %parallel_loop3A_34 step %parallel_loop3A_35  : i32 {
      %parallel_loop3A_37 = arith.constant 16 : i32
      %parallel_loop3A_38 = arith.muli %parallel_loop3A_36, %parallel_loop3A_37 : i32
      %parallel_loop3A_39 = arith.index_cast %parallel_loop3A_38 : i32 to index
      %parallel_loop3A_40 = tpu.vector_load %arg5[%parallel_loop3A_39] {strides = array<i32>} : memref<8192xf32, #tpu.memory_space<vmem>>, vector<16xf32>,
      %parallel_loop3A_41 = vector.bitcast %parallel_loop3A_40 : vector<16xf32> to vector<16xi32>
      %parallel_loop3A_42 = arith.constant 16 : i32
      %parallel_loop3A_43 = vector.broadcast %parallel_loop3A_42 : i32 to vector<16xi32>
      %parallel_loop3A_44 = arith.shrui %parallel_loop3A_41, %parallel_loop3A_43 : vector<16xi32>
      tpu.vector_store_idx %arg6[%parallel_loop3A_44], %broadcast_in_dim3A_9 {add = true} : memref<65536xi32, #tpu.memory_space<vmem>>[vector<16xi32>], vector<16xi32>,
    } {sc.loop_unroll_factor = 8 : i64, sc.parallel_access}
    "tpu.region"() ({
      %run_scoped3A = tpu.sem_alloc : memref<!tpu.dma_semaphore, #tpu.memory_space<semaphore_mem>>
      %dma_start3A_36 = arith.constant 0 : i32
      %dma_start3A_37 = tpu.memref_slice %arg3[%add3A, %dma_start3A_36] : memref<32x65536xi32, #tpu.memory_space<hbm>> -> memref<1x65536xi32, #tpu.memory_space<hbm>>
      %dma_start3A_38 = tpu.memref_squeeze %dma_start3A_37 : memref<1x65536xi32, #tpu.memory_space<hbm>> -> memref<65536xi32, #tpu.memory_space<hbm>>
      %dma_start3A_39 = arith.constant 0 : i32
      %dma_start3A_40 = tpu.memref_slice %arg3[%add3A, %dma_start3A_39] : memref<32x65536xi32, #tpu.memory_space<hbm>> -> memref<1x65536xi32, #tpu.memory_space<hbm>>
      %dma_start3A_41 = tpu.memref_squeeze %dma_start3A_40 : memref<1x65536xi32, #tpu.memory_space<hbm>> -> memref<65536xi32, #tpu.memory_space<hbm>>
      tpu.enqueue_dma source(%arg6 : memref<65536xi32, #tpu.memory_space<vmem>>) target(%dma_start3A_41 : memref<65536xi32, #tpu.memory_space<hbm>>) target_semaphore(%run_scoped3A : memref<!tpu.dma_semaphore, #tpu.memory_space<semaphore_mem>>)
      %dma_wait3A_42 = arith.constant 0 : i32
      %dma_wait3A_43 = tpu.memref_slice %arg3[%add3A, %dma_wait3A_42] : memref<32x65536xi32, #tpu.memory_space<hbm>> -> memref<1x65536xi32, #tpu.memory_space<hbm>>
      %dma_wait3A_44 = tpu.memref_squeeze %dma_wait3A_43 : memref<1x65536xi32, #tpu.memory_space<hbm>> -> memref<65536xi32, #tpu.memory_space<hbm>>
      %dma_wait3A_45 = arith.constant 0 : i32
      %dma_wait3A_46 = tpu.memref_slice %arg3[%add3A, %dma_wait3A_45] : memref<32x65536xi32, #tpu.memory_space<hbm>> -> memref<1x65536xi32, #tpu.memory_space<hbm>>
      %dma_wait3A_47 = tpu.memref_squeeze %dma_wait3A_46 : memref<1x65536xi32, #tpu.memory_space<hbm>> -> memref<65536xi32, #tpu.memory_space<hbm>>
      tpu.wait_dma2 semaphore(%run_scoped3A : memref<!tpu.dma_semaphore, #tpu.memory_space<semaphore_mem>>) src(%arg6 : memref<65536xi32, #tpu.memory_space<vmem>>) dst(%dma_wait3A_47 : memref<65536xi32, #tpu.memory_space<hbm>>)
      tpu.yield
    }) : () -> ()
    return
  }
}

#map = affine_map<(d0, d1) -> (0)>
#map1 = affine_map<(d0, d1) -> (0, 0)>
module attributes {stable_mosaic.version = 14 : i64} {
  func.func @_hist_lo_body(%arg0: i32, %arg1: i32, %arg2: memref<19922944xf32, #tpu.memory_space<hbm>>, %arg3: memref<32xi32, #tpu.memory_space<hbm>>, %arg4: memref<32x65536xi32, #tpu.memory_space<hbm>>, %arg5: memref<8192xf32, #tpu.memory_space<vmem>>, %arg6: memref<8192xf32, #tpu.memory_space<vmem>>, %arg7: memref<65536xi32, #tpu.memory_space<vmem>>, %arg8: memref<16xi32, #tpu.memory_space<vmem>>, %arg9: memref<!tpu.dma_semaphore, #tpu.memory_space<semaphore_mem>>, %arg10: memref<!tpu.dma_semaphore, #tpu.memory_space<semaphore_mem>>) attributes {dimension_semantics = [#tpu.dimension_semantics<core_parallel>, #tpu.dimension_semantics<subcore_parallel>], iteration_bounds = array<i64: 2, 16>, scalar_prefetch = 0 : i64, scratch_operands = 6 : i64, tpu.core_type = #tpu.core_type<sc_vector_subcore>, window_params = [{transform_indices = #map}, {transform_indices = #map}, {transform_indices = #map1}]} {
    %mul3A = arith.constant 2 : i32
    %mul3A_0 = arith.muli %arg1, %mul3A : i32
    %add3A = arith.addi %mul3A_0, %arg0 : i32
    %broadcast_in_dim3A = arith.constant 0 : i32
    %broadcast_in_dim3A_1 = vector.broadcast %broadcast_in_dim3A : i32 to vector<16xi32>
    %scan3A = arith.constant 0 : i32
    %scan3A_2 = arith.constant 0 : i32
    %scan3A_3 = arith.constant 4096 : i32
    %scan3A_4 = arith.addi %scan3A_2, %scan3A_3 : i32
    %scan3A_5 = arith.constant 1 : i32
    %scan3A_6 = scf.for %scan3A_37 = %scan3A_2 to %scan3A_4 step %scan3A_5 iter_args(%scan3A_38 = %scan3A) -> (i32)  : i32 {
      %mul3A_39 = arith.constant 16 : i32
      %mul3A_40 = arith.muli %scan3A_37, %mul3A_39 : i32
      %swap3A = arith.index_cast %mul3A_40 : i32 to index
      %swap3A_41 = tpu.vector_load %arg7[%swap3A] {strides = array<i32>} : memref<65536xi32, #tpu.memory_space<vmem>>, vector<16xi32>,
      tpu.vector_store %arg7[%swap3A], %broadcast_in_dim3A_1 {strides = array<i32>} : memref<65536xi32, #tpu.memory_space<vmem>>, vector<16xi32>,
      %scan3A_42 = arith.constant 0 : i32
      scf.yield %scan3A_42 : i32
    }
    %scan3A_7 = arith.constant 4096 : i32
    "tpu.region"() ({
      %run_scoped3A = tpu.sem_alloc : memref<!tpu.dma_semaphore, #tpu.memory_space<semaphore_mem>>
      %dma_start3A_37 = arith.constant 0 : i32
      %dma_start3A_38 = tpu.memref_slice %arg3[%dma_start3A_37] : memref<32xi32, #tpu.memory_space<hbm>> -> memref<16xi32, #tpu.memory_space<hbm>>
      %dma_start3A_39 = arith.constant 0 : i32
      %dma_start3A_40 = tpu.memref_slice %arg3[%dma_start3A_39] : memref<32xi32, #tpu.memory_space<hbm>> -> memref<16xi32, #tpu.memory_space<hbm>>
      tpu.enqueue_dma source(%dma_start3A_40 : memref<16xi32, #tpu.memory_space<hbm>>) target(%arg8 : memref<16xi32, #tpu.memory_space<vmem>>) target_semaphore(%run_scoped3A : memref<!tpu.dma_semaphore, #tpu.memory_space<semaphore_mem>>)
      %dma_wait3A_41 = arith.constant 0 : i32
      %dma_wait3A_42 = tpu.memref_slice %arg3[%dma_wait3A_41] : memref<32xi32, #tpu.memory_space<hbm>> -> memref<16xi32, #tpu.memory_space<hbm>>
      %dma_wait3A_43 = arith.constant 0 : i32
      %dma_wait3A_44 = tpu.memref_slice %arg3[%dma_wait3A_43] : memref<32xi32, #tpu.memory_space<hbm>> -> memref<16xi32, #tpu.memory_space<hbm>>
      tpu.wait_dma2 semaphore(%run_scoped3A : memref<!tpu.dma_semaphore, #tpu.memory_space<semaphore_mem>>) src(%dma_wait3A_44 : memref<16xi32, #tpu.memory_space<hbm>>) dst(%arg8 : memref<16xi32, #tpu.memory_space<vmem>>)
      tpu.yield
    }) : () -> ()
    %get3A = arith.constant 0 : index
    %get3A_8 = tpu.vector_load %arg8[%get3A] {strides = array<i32>} : memref<16xi32, #tpu.memory_space<vmem>>, vector<16xi32>,
    %broadcast_in_dim3A_9 = arith.constant 1 : i32
    %broadcast_in_dim3A_10 = vector.broadcast %broadcast_in_dim3A_9 : i32 to vector<16xi32>
    %mul3A_11 = arith.constant 622592 : i32
    %mul3A_12 = arith.muli %add3A, %mul3A_11 : i32
    %dma_start3A = tpu.memref_slice %arg2[%mul3A_12] : memref<19922944xf32, #tpu.memory_space<hbm>> -> memref<8192xf32, #tpu.memory_space<hbm>>
    %dma_start3A_13 = tpu.memref_slice %arg2[%mul3A_12] : memref<19922944xf32, #tpu.memory_space<hbm>> -> memref<8192xf32, #tpu.memory_space<hbm>>
    tpu.enqueue_dma source(%dma_start3A_13 : memref<8192xf32, #tpu.memory_space<hbm>>) target(%arg5 : memref<8192xf32, #tpu.memory_space<vmem>>) target_semaphore(%arg9 : memref<!tpu.dma_semaphore, #tpu.memory_space<semaphore_mem>>)
    %add3A_14 = arith.constant 8192 : i32
    %add3A_15 = arith.addi %mul3A_12, %add3A_14 : i32
    %dma_start3A_16 = tpu.memref_slice %arg2[%add3A_15] : memref<19922944xf32, #tpu.memory_space<hbm>> -> memref<8192xf32, #tpu.memory_space<hbm>>
    %dma_start3A_17 = tpu.memref_slice %arg2[%add3A_15] : memref<19922944xf32, #tpu.memory_space<hbm>> -> memref<8192xf32, #tpu.memory_space<hbm>>
    tpu.enqueue_dma source(%dma_start3A_17 : memref<8192xf32, #tpu.memory_space<hbm>>) target(%arg6 : memref<8192xf32, #tpu.memory_space<vmem>>) target_semaphore(%arg10 : memref<!tpu.dma_semaphore, #tpu.memory_space<semaphore_mem>>)
    %scan3A_18 = arith.constant 0 : i32
    %scan3A_19 = arith.constant 0 : i32
    %scan3A_20 = arith.constant 37 : i32
    %scan3A_21 = arith.addi %scan3A_19, %scan3A_20 : i32
    %scan3A_22 = arith.constant 1 : i32
    %scan3A_23 = scf.for %scan3A_37 = %scan3A_19 to %scan3A_21 step %scan3A_22 iter_args(%scan3A_38 = %scan3A_18) -> (i32)  : i32 {
      %mul3A_39 = arith.constant 2 : i32
      %mul3A_40 = arith.muli %mul3A_39, %scan3A_37 : i32
      %mul3A_41 = arith.constant 8192 : i32
      %mul3A_42 = arith.muli %mul3A_40, %mul3A_41 : i32
      %add3A_43 = arith.addi %mul3A_12, %mul3A_42 : i32
      %dma_wait3A_44 = tpu.memref_slice %arg2[%add3A_43] : memref<19922944xf32, #tpu.memory_space<hbm>> -> memref<8192xf32, #tpu.memory_space<hbm>>
      %dma_wait3A_45 = tpu.memref_slice %arg2[%add3A_43] : memref<19922944xf32, #tpu.memory_space<hbm>> -> memref<8192xf32, #tpu.memory_space<hbm>>
      tpu.wait_dma2 semaphore(%arg9 : memref<!tpu.dma_semaphore, #tpu.memory_space<semaphore_mem>>) src(%dma_wait3A_45 : memref<8192xf32, #tpu.memory_space<hbm>>) dst(%arg5 : memref<8192xf32, #tpu.memory_space<vmem>>)
      %parallel_loop3A_46 = arith.constant 0 : i32
      %parallel_loop3A_47 = arith.constant 512 : i32
      %parallel_loop3A_48 = arith.constant 1 : i32
      scf.for %parallel_loop3A_65 = %parallel_loop3A_46 to %parallel_loop3A_47 step %parallel_loop3A_48  : i32 {
        %parallel_loop3A_66 = arith.constant 16 : i32
        %parallel_loop3A_67 = arith.muli %parallel_loop3A_65, %parallel_loop3A_66 : i32
        %parallel_loop3A_68 = arith.index_cast %parallel_loop3A_67 : i32 to index
        %parallel_loop3A_69 = tpu.vector_load %arg5[%parallel_loop3A_68] {strides = array<i32>} : memref<8192xf32, #tpu.memory_space<vmem>>, vector<16xf32>,
        %parallel_loop3A_70 = vector.bitcast %parallel_loop3A_69 : vector<16xf32> to vector<16xi32>
        %parallel_loop3A_71 = arith.constant 16 : i32
        %parallel_loop3A_72 = vector.broadcast %parallel_loop3A_71 : i32 to vector<16xi32>
        %parallel_loop3A_73 = arith.shrui %parallel_loop3A_70, %parallel_loop3A_72 : vector<16xi32>
        %parallel_loop3A_74 = arith.constant 65535 : i32
        %parallel_loop3A_75 = vector.broadcast %parallel_loop3A_74 : i32 to vector<16xi32>
        %parallel_loop3A_76 = arith.andi %parallel_loop3A_70, %parallel_loop3A_75 : vector<16xi32>
        %parallel_loop3A_77 = arith.cmpi eq, %parallel_loop3A_73, %get3A_8 : vector<16xi32>
        tpu.vector_store_idx %arg7[%parallel_loop3A_76], %broadcast_in_dim3A_10 masked %parallel_loop3A_77 {add = true} : memref<65536xi32, #tpu.memory_space<vmem>>[vector<16xi32>], vector<16xi32>, vector<16xi1>
      } {sc.loop_unroll_factor = 8 : i64, sc.parallel_access}
      %add3A_49 = arith.constant 16384 : i32
      %add3A_50 = arith.addi %add3A_43, %add3A_49 : i32
      %dma_start3A_51 = tpu.memref_slice %arg2[%add3A_50] : memref<19922944xf32, #tpu.memory_space<hbm>> -> memref<8192xf32, #tpu.memory_space<hbm>>
      %dma_start3A_52 = tpu.memref_slice %arg2[%add3A_50] : memref<19922944xf32, #tpu.memory_space<hbm>> -> memref<8192xf32, #tpu.memory_space<hbm>>
      tpu.enqueue_dma source(%dma_start3A_52 : memref<8192xf32, #tpu.memory_space<hbm>>) target(%arg5 : memref<8192xf32, #tpu.memory_space<vmem>>) target_semaphore(%arg9 : memref<!tpu.dma_semaphore, #tpu.memory_space<semaphore_mem>>)
      %add3A_53 = arith.constant 8192 : i32
      %add3A_54 = arith.addi %add3A_43, %add3A_53 : i32
      %dma_wait3A_55 = tpu.memref_slice %arg2[%add3A_54] : memref<19922944xf32, #tpu.memory_space<hbm>> -> memref<8192xf32, #tpu.memory_space<hbm>>
      %dma_wait3A_56 = tpu.memref_slice %arg2[%add3A_54] : memref<19922944xf32, #tpu.memory_space<hbm>> -> memref<8192xf32, #tpu.memory_space<hbm>>
      tpu.wait_dma2 semaphore(%arg10 : memref<!tpu.dma_semaphore, #tpu.memory_space<semaphore_mem>>) src(%dma_wait3A_56 : memref<8192xf32, #tpu.memory_space<hbm>>) dst(%arg6 : memref<8192xf32, #tpu.memory_space<vmem>>)
      %parallel_loop3A_57 = arith.constant 0 : i32
      %parallel_loop3A_58 = arith.constant 512 : i32
      %parallel_loop3A_59 = arith.constant 1 : i32
      scf.for %parallel_loop3A_65 = %parallel_loop3A_57 to %parallel_loop3A_58 step %parallel_loop3A_59  : i32 {
        %parallel_loop3A_66 = arith.constant 16 : i32
        %parallel_loop3A_67 = arith.muli %parallel_loop3A_65, %parallel_loop3A_66 : i32
        %parallel_loop3A_68 = arith.index_cast %parallel_loop3A_67 : i32 to index
        %parallel_loop3A_69 = tpu.vector_load %arg6[%parallel_loop3A_68] {strides = array<i32>} : memref<8192xf32, #tpu.memory_space<vmem>>, vector<16xf32>,
        %parallel_loop3A_70 = vector.bitcast %parallel_loop3A_69 : vector<16xf32> to vector<16xi32>
        %parallel_loop3A_71 = arith.constant 16 : i32
        %parallel_loop3A_72 = vector.broadcast %parallel_loop3A_71 : i32 to vector<16xi32>
        %parallel_loop3A_73 = arith.shrui %parallel_loop3A_70, %parallel_loop3A_72 : vector<16xi32>
        %parallel_loop3A_74 = arith.constant 65535 : i32
        %parallel_loop3A_75 = vector.broadcast %parallel_loop3A_74 : i32 to vector<16xi32>
        %parallel_loop3A_76 = arith.andi %parallel_loop3A_70, %parallel_loop3A_75 : vector<16xi32>
        %parallel_loop3A_77 = arith.cmpi eq, %parallel_loop3A_73, %get3A_8 : vector<16xi32>
        tpu.vector_store_idx %arg7[%parallel_loop3A_76], %broadcast_in_dim3A_10 masked %parallel_loop3A_77 {add = true} : memref<65536xi32, #tpu.memory_space<vmem>>[vector<16xi32>], vector<16xi32>, vector<16xi1>
      } {sc.loop_unroll_factor = 8 : i64, sc.parallel_access}
      %add3A_60 = arith.constant 24576 : i32
      %add3A_61 = arith.addi %add3A_43, %add3A_60 : i32
      %dma_start3A_62 = tpu.memref_slice %arg2[%add3A_61] : memref<19922944xf32, #tpu.memory_space<hbm>> -> memref<8192xf32, #tpu.memory_space<hbm>>
      %dma_start3A_63 = tpu.memref_slice %arg2[%add3A_61] : memref<19922944xf32, #tpu.memory_space<hbm>> -> memref<8192xf32, #tpu.memory_space<hbm>>
      tpu.enqueue_dma source(%dma_start3A_63 : memref<8192xf32, #tpu.memory_space<hbm>>) target(%arg6 : memref<8192xf32, #tpu.memory_space<vmem>>) target_semaphore(%arg10 : memref<!tpu.dma_semaphore, #tpu.memory_space<semaphore_mem>>)
      %scan3A_64 = arith.constant 0 : i32
      scf.yield %scan3A_64 : i32
    }
    %scan3A_24 = arith.constant 37 : i32
    %add3A_25 = arith.constant 606208 : i32
    %add3A_26 = arith.addi %mul3A_12, %add3A_25 : i32
    %dma_wait3A = tpu.memref_slice %arg2[%add3A_26] : memref<19922944xf32, #tpu.memory_space<hbm>> -> memref<8192xf32, #tpu.memory_space<hbm>>
    %dma_wait3A_27 = tpu.memref_slice %arg2[%add3A_26] : memref<19922944xf32, #tpu.memory_space<hbm>> -> memref<8192xf32, #tpu.memory_space<hbm>>
    tpu.wait_dma2 semaphore(%arg9 : memref<!tpu.dma_semaphore, #tpu.memory_space<semaphore_mem>>) src(%dma_wait3A_27 : memref<8192xf32, #tpu.memory_space<hbm>>) dst(%arg5 : memref<8192xf32, #tpu.memory_space<vmem>>)
    %parallel_loop3A = arith.constant 0 : i32
    %parallel_loop3A_28 = arith.constant 512 : i32
    %parallel_loop3A_29 = arith.constant 1 : i32
    scf.for %parallel_loop3A_37 = %parallel_loop3A to %parallel_loop3A_28 step %parallel_loop3A_29  : i32 {
      %parallel_loop3A_38 = arith.constant 16 : i32
      %parallel_loop3A_39 = arith.muli %parallel_loop3A_37, %parallel_loop3A_38 : i32
      %parallel_loop3A_40 = arith.index_cast %parallel_loop3A_39 : i32 to index
      %parallel_loop3A_41 = tpu.vector_load %arg5[%parallel_loop3A_40] {strides = array<i32>} : memref<8192xf32, #tpu.memory_space<vmem>>, vector<16xf32>,
      %parallel_loop3A_42 = vector.bitcast %parallel_loop3A_41 : vector<16xf32> to vector<16xi32>
      %parallel_loop3A_43 = arith.constant 16 : i32
      %parallel_loop3A_44 = vector.broadcast %parallel_loop3A_43 : i32 to vector<16xi32>
      %parallel_loop3A_45 = arith.shrui %parallel_loop3A_42, %parallel_loop3A_44 : vector<16xi32>
      %parallel_loop3A_46 = arith.constant 65535 : i32
      %parallel_loop3A_47 = vector.broadcast %parallel_loop3A_46 : i32 to vector<16xi32>
      %parallel_loop3A_48 = arith.andi %parallel_loop3A_42, %parallel_loop3A_47 : vector<16xi32>
      %parallel_loop3A_49 = arith.cmpi eq, %parallel_loop3A_45, %get3A_8 : vector<16xi32>
      tpu.vector_store_idx %arg7[%parallel_loop3A_48], %broadcast_in_dim3A_10 masked %parallel_loop3A_49 {add = true} : memref<65536xi32, #tpu.memory_space<vmem>>[vector<16xi32>], vector<16xi32>, vector<16xi1>
    } {sc.loop_unroll_factor = 8 : i64, sc.parallel_access}
    %add3A_30 = arith.constant 8192 : i32
    %add3A_31 = arith.addi %add3A_26, %add3A_30 : i32
    %dma_wait3A_32 = tpu.memref_slice %arg2[%add3A_31] : memref<19922944xf32, #tpu.memory_space<hbm>> -> memref<8192xf32, #tpu.memory_space<hbm>>
    %dma_wait3A_33 = tpu.memref_slice %arg2[%add3A_31] : memref<19922944xf32, #tpu.memory_space<hbm>> -> memref<8192xf32, #tpu.memory_space<hbm>>
    tpu.wait_dma2 semaphore(%arg10 : memref<!tpu.dma_semaphore, #tpu.memory_space<semaphore_mem>>) src(%dma_wait3A_33 : memref<8192xf32, #tpu.memory_space<hbm>>) dst(%arg6 : memref<8192xf32, #tpu.memory_space<vmem>>)
    %parallel_loop3A_34 = arith.constant 0 : i32
    %parallel_loop3A_35 = arith.constant 512 : i32
    %parallel_loop3A_36 = arith.constant 1 : i32
    scf.for %parallel_loop3A_37 = %parallel_loop3A_34 to %parallel_loop3A_35 step %parallel_loop3A_36  : i32 {
      %parallel_loop3A_38 = arith.constant 16 : i32
      %parallel_loop3A_39 = arith.muli %parallel_loop3A_37, %parallel_loop3A_38 : i32
      %parallel_loop3A_40 = arith.index_cast %parallel_loop3A_39 : i32 to index
      %parallel_loop3A_41 = tpu.vector_load %arg6[%parallel_loop3A_40] {strides = array<i32>} : memref<8192xf32, #tpu.memory_space<vmem>>, vector<16xf32>,
      %parallel_loop3A_42 = vector.bitcast %parallel_loop3A_41 : vector<16xf32> to vector<16xi32>
      %parallel_loop3A_43 = arith.constant 16 : i32
      %parallel_loop3A_44 = vector.broadcast %parallel_loop3A_43 : i32 to vector<16xi32>
      %parallel_loop3A_45 = arith.shrui %parallel_loop3A_42, %parallel_loop3A_44 : vector<16xi32>
      %parallel_loop3A_46 = arith.constant 65535 : i32
      %parallel_loop3A_47 = vector.broadcast %parallel_loop3A_46 : i32 to vector<16xi32>
      %parallel_loop3A_48 = arith.andi %parallel_loop3A_42, %parallel_loop3A_47 : vector<16xi32>
      %parallel_loop3A_49 = arith.cmpi eq, %parallel_loop3A_45, %get3A_8 : vector<16xi32>
      tpu.vector_store_idx %arg7[%parallel_loop3A_48], %broadcast_in_dim3A_10 masked %parallel_loop3A_49 {add = true} : memref<65536xi32, #tpu.memory_space<vmem>>[vector<16xi32>], vector<16xi32>, vector<16xi1>
    } {sc.loop_unroll_factor = 8 : i64, sc.parallel_access}
    "tpu.region"() ({
      %run_scoped3A = tpu.sem_alloc : memref<!tpu.dma_semaphore, #tpu.memory_space<semaphore_mem>>
      %dma_start3A_37 = arith.constant 0 : i32
      %dma_start3A_38 = tpu.memref_slice %arg4[%add3A, %dma_start3A_37] : memref<32x65536xi32, #tpu.memory_space<hbm>> -> memref<1x65536xi32, #tpu.memory_space<hbm>>
      %dma_start3A_39 = tpu.memref_squeeze %dma_start3A_38 : memref<1x65536xi32, #tpu.memory_space<hbm>> -> memref<65536xi32, #tpu.memory_space<hbm>>
      %dma_start3A_40 = arith.constant 0 : i32
      %dma_start3A_41 = tpu.memref_slice %arg4[%add3A, %dma_start3A_40] : memref<32x65536xi32, #tpu.memory_space<hbm>> -> memref<1x65536xi32, #tpu.memory_space<hbm>>
      %dma_start3A_42 = tpu.memref_squeeze %dma_start3A_41 : memref<1x65536xi32, #tpu.memory_space<hbm>> -> memref<65536xi32, #tpu.memory_space<hbm>>
      tpu.enqueue_dma source(%arg7 : memref<65536xi32, #tpu.memory_space<vmem>>) target(%dma_start3A_42 : memref<65536xi32, #tpu.memory_space<hbm>>) target_semaphore(%run_scoped3A : memref<!tpu.dma_semaphore, #tpu.memory_space<semaphore_mem>>)
      %dma_wait3A_43 = arith.constant 0 : i32
      %dma_wait3A_44 = tpu.memref_slice %arg4[%add3A, %dma_wait3A_43] : memref<32x65536xi32, #tpu.memory_space<hbm>> -> memref<1x65536xi32, #tpu.memory_space<hbm>>
      %dma_wait3A_45 = tpu.memref_squeeze %dma_wait3A_44 : memref<1x65536xi32, #tpu.memory_space<hbm>> -> memref<65536xi32, #tpu.memory_space<hbm>>
      %dma_wait3A_46 = arith.constant 0 : i32
      %dma_wait3A_47 = tpu.memref_slice %arg4[%add3A, %dma_wait3A_46] : memref<32x65536xi32, #tpu.memory_space<hbm>> -> memref<1x65536xi32, #tpu.memory_space<hbm>>
      %dma_wait3A_48 = tpu.memref_squeeze %dma_wait3A_47 : memref<1x65536xi32, #tpu.memory_space<hbm>> -> memref<65536xi32, #tpu.memory_space<hbm>>
      tpu.wait_dma2 semaphore(%run_scoped3A : memref<!tpu.dma_semaphore, #tpu.memory_space<semaphore_mem>>) src(%arg7 : memref<65536xi32, #tpu.memory_space<vmem>>) dst(%dma_wait3A_48 : memref<65536xi32, #tpu.memory_space<hbm>>)
      tpu.yield
    }) : () -> ()
    return
  }
}

#map = affine_map<(d0, d1) -> (0, 0)>
#map1 = affine_map<(d0, d1) -> (0)>
module attributes {stable_mosaic.version = 14 : i64} {
  func.func @_scan_hi_body(%arg0: i32, %arg1: i32, %arg2: memref<32x65536xi32, #tpu.memory_space<hbm>>, %arg3: memref<32xi32, #tpu.memory_space<hbm>>, %arg4: memref<4096xi32, #tpu.memory_space<vmem>>, %arg5: memref<4096xi32, #tpu.memory_space<vmem>>, %arg6: memref<32xi32, #tpu.memory_space<vmem>>, %arg7: memref<65536xi32, #tpu.memory_space<vmem_shared>>) attributes {dimension_semantics = [#tpu.dimension_semantics<core_parallel>, #tpu.dimension_semantics<subcore_parallel>], iteration_bounds = array<i64: 2, 16>, scalar_prefetch = 0 : i64, scratch_operands = 4 : i64, tpu.core_type = #tpu.core_type<sc_vector_subcore>, window_params = [{transform_indices = #map}, {transform_indices = #map1}]} {
    %eq3A = arith.constant 0 : i32
    %eq3A_0 = arith.cmpi eq, %arg0, %eq3A : i32
    %convert_element_type3A = arith.extui %eq3A_0 : i1 to i32
    %cond3A = arith.constant 0 : i32
    %cond3A_1 = arith.cmpi ne, %convert_element_type3A, %cond3A : i32
    scf.if %cond3A_1 {
      %mul3A = arith.constant 4096 : i32
      %mul3A_9 = arith.muli %arg1, %mul3A : i32
      %run_scoped3A = arith.constant 0 : i32
      "tpu.region"() ({
        %run_scoped3A_16 = tpu.sem_alloc : memref<!tpu.dma_semaphore, #tpu.memory_space<semaphore_mem>>
        %dma_start3A = tpu.memref_slice %arg2[%run_scoped3A, %mul3A_9] : memref<32x65536xi32, #tpu.memory_space<hbm>> -> memref<1x4096xi32, #tpu.memory_space<hbm>>
        %dma_start3A_17 = tpu.memref_squeeze %dma_start3A : memref<1x4096xi32, #tpu.memory_space<hbm>> -> memref<4096xi32, #tpu.memory_space<hbm>>
        %dma_start3A_18 = tpu.memref_slice %arg2[%run_scoped3A, %mul3A_9] : memref<32x65536xi32, #tpu.memory_space<hbm>> -> memref<1x4096xi32, #tpu.memory_space<hbm>>
        %dma_start3A_19 = tpu.memref_squeeze %dma_start3A_18 : memref<1x4096xi32, #tpu.memory_space<hbm>> -> memref<4096xi32, #tpu.memory_space<hbm>>
        tpu.enqueue_dma source(%dma_start3A_19 : memref<4096xi32, #tpu.memory_space<hbm>>) target(%arg4 : memref<4096xi32, #tpu.memory_space<vmem>>) target_semaphore(%run_scoped3A_16 : memref<!tpu.dma_semaphore, #tpu.memory_space<semaphore_mem>>)
        %dma_wait3A = tpu.memref_slice %arg2[%run_scoped3A, %mul3A_9] : memref<32x65536xi32, #tpu.memory_space<hbm>> -> memref<1x4096xi32, #tpu.memory_space<hbm>>
        %dma_wait3A_20 = tpu.memref_squeeze %dma_wait3A : memref<1x4096xi32, #tpu.memory_space<hbm>> -> memref<4096xi32, #tpu.memory_space<hbm>>
        %dma_wait3A_21 = tpu.memref_slice %arg2[%run_scoped3A, %mul3A_9] : memref<32x65536xi32, #tpu.memory_space<hbm>> -> memref<1x4096xi32, #tpu.memory_space<hbm>>
        %dma_wait3A_22 = tpu.memref_squeeze %dma_wait3A_21 : memref<1x4096xi32, #tpu.memory_space<hbm>> -> memref<4096xi32, #tpu.memory_space<hbm>>
        tpu.wait_dma2 semaphore(%run_scoped3A_16 : memref<!tpu.dma_semaphore, #tpu.memory_space<semaphore_mem>>) src(%dma_wait3A_22 : memref<4096xi32, #tpu.memory_space<hbm>>) dst(%arg4 : memref<4096xi32, #tpu.memory_space<vmem>>)
        tpu.yield
      }) : () -> ()
      %scan3A = arith.constant 0 : i32
      %scan3A_10 = arith.constant 1 : i32
      %scan3A_11 = arith.constant 31 : i32
      %scan3A_12 = arith.addi %scan3A_10, %scan3A_11 : i32
      %scan3A_13 = arith.constant 1 : i32
      %scan3A_14 = scf.for %scan3A_16 = %scan3A_10 to %scan3A_12 step %scan3A_13 iter_args(%scan3A_17 = %scan3A) -> (i32)  : i32 {
        "tpu.region"() ({
          %run_scoped3A_25 = tpu.sem_alloc : memref<!tpu.dma_semaphore, #tpu.memory_space<semaphore_mem>>
          %dma_start3A = tpu.memref_slice %arg2[%scan3A_16, %mul3A_9] : memref<32x65536xi32, #tpu.memory_space<hbm>> -> memref<1x4096xi32, #tpu.memory_space<hbm>>
          %dma_start3A_26 = tpu.memref_squeeze %dma_start3A : memref<1x4096xi32, #tpu.memory_space<hbm>> -> memref<4096xi32, #tpu.memory_space<hbm>>
          %dma_start3A_27 = tpu.memref_slice %arg2[%scan3A_16, %mul3A_9] : memref<32x65536xi32, #tpu.memory_space<hbm>> -> memref<1x4096xi32, #tpu.memory_space<hbm>>
          %dma_start3A_28 = tpu.memref_squeeze %dma_start3A_27 : memref<1x4096xi32, #tpu.memory_space<hbm>> -> memref<4096xi32, #tpu.memory_space<hbm>>
          tpu.enqueue_dma source(%dma_start3A_28 : memref<4096xi32, #tpu.memory_space<hbm>>) target(%arg5 : memref<4096xi32, #tpu.memory_space<vmem>>) target_semaphore(%run_scoped3A_25 : memref<!tpu.dma_semaphore, #tpu.memory_space<semaphore_mem>>)
          %dma_wait3A = tpu.memref_slice %arg2[%scan3A_16, %mul3A_9] : memref<32x65536xi32, #tpu.memory_space<hbm>> -> memref<1x4096xi32, #tpu.memory_space<hbm>>
          %dma_wait3A_29 = tpu.memref_squeeze %dma_wait3A : memref<1x4096xi32, #tpu.memory_space<hbm>> -> memref<4096xi32, #tpu.memory_space<hbm>>
          %dma_wait3A_30 = tpu.memref_slice %arg2[%scan3A_16, %mul3A_9] : memref<32x65536xi32, #tpu.memory_space<hbm>> -> memref<1x4096xi32, #tpu.memory_space<hbm>>
          %dma_wait3A_31 = tpu.memref_squeeze %dma_wait3A_30 : memref<1x4096xi32, #tpu.memory_space<hbm>> -> memref<4096xi32, #tpu.memory_space<hbm>>
          tpu.wait_dma2 semaphore(%run_scoped3A_25 : memref<!tpu.dma_semaphore, #tpu.memory_space<semaphore_mem>>) src(%dma_wait3A_31 : memref<4096xi32, #tpu.memory_space<hbm>>) dst(%arg5 : memref<4096xi32, #tpu.memory_space<vmem>>)
          tpu.yield
        }) : () -> ()
        %scan3A_18 = arith.constant 0 : i32
        %scan3A_19 = arith.constant 0 : i32
        %scan3A_20 = arith.constant 256 : i32
        %scan3A_21 = arith.addi %scan3A_19, %scan3A_20 : i32
        %scan3A_22 = arith.constant 1 : i32
        %scan3A_23 = scf.for %scan3A_25 = %scan3A_19 to %scan3A_21 step %scan3A_22 iter_args(%scan3A_26 = %scan3A_18) -> (i32)  : i32 {
          %mul3A_27 = arith.constant 16 : i32
          %mul3A_28 = arith.muli %scan3A_25, %mul3A_27 : i32
          %get3A = arith.index_cast %mul3A_28 : i32 to index
          %get3A_29 = tpu.vector_load %arg4[%get3A] {strides = array<i32>} : memref<4096xi32, #tpu.memory_space<vmem>>, vector<16xi32>,
          %mul3A_30 = arith.constant 16 : i32
          %mul3A_31 = arith.muli %scan3A_25, %mul3A_30 : i32
          %get3A_32 = arith.index_cast %mul3A_31 : i32 to index
          %get3A_33 = tpu.vector_load %arg5[%get3A_32] {strides = array<i32>} : memref<4096xi32, #tpu.memory_space<vmem>>, vector<16xi32>,
          %add3A = arith.addi %get3A_29, %get3A_33 : vector<16xi32>
          %swap3A = arith.index_cast %mul3A_28 : i32 to index
          %swap3A_34 = tpu.vector_load %arg4[%swap3A] {strides = array<i32>} : memref<4096xi32, #tpu.memory_space<vmem>>, vector<16xi32>,
          tpu.vector_store %arg4[%swap3A], %add3A {strides = array<i32>} : memref<4096xi32, #tpu.memory_space<vmem>>, vector<16xi32>,
          %scan3A_35 = arith.constant 0 : i32
          scf.yield %scan3A_35 : i32
        }
        %scan3A_24 = arith.constant 256 : i32
        scf.yield %scan3A_23 : i32
      }
      %scan3A_15 = arith.constant 31 : i32
      "tpu.region"() ({
        %run_scoped3A_16 = tpu.sem_alloc : memref<!tpu.dma_semaphore, #tpu.memory_space<semaphore_mem>>
        %dma_start3A = tpu.memref_slice %arg7[%mul3A_9] : memref<65536xi32, #tpu.memory_space<vmem_shared>> -> memref<4096xi32, #tpu.memory_space<vmem_shared>>
        %dma_start3A_17 = tpu.memref_slice %arg7[%mul3A_9] : memref<65536xi32, #tpu.memory_space<vmem_shared>> -> memref<4096xi32, #tpu.memory_space<vmem_shared>>
        tpu.enqueue_dma source(%arg4 : memref<4096xi32, #tpu.memory_space<vmem>>) target(%dma_start3A_17 : memref<4096xi32, #tpu.memory_space<vmem_shared>>) target_semaphore(%run_scoped3A_16 : memref<!tpu.dma_semaphore, #tpu.memory_space<semaphore_mem>>)
        %dma_wait3A = tpu.memref_slice %arg7[%mul3A_9] : memref<65536xi32, #tpu.memory_space<vmem_shared>> -> memref<4096xi32, #tpu.memory_space<vmem_shared>>
        %dma_wait3A_18 = tpu.memref_slice %arg7[%mul3A_9] : memref<65536xi32, #tpu.memory_space<vmem_shared>> -> memref<4096xi32, #tpu.memory_space<vmem_shared>>
        tpu.wait_dma2 semaphore(%run_scoped3A_16 : memref<!tpu.dma_semaphore, #tpu.memory_space<semaphore_mem>>) src(%arg4 : memref<4096xi32, #tpu.memory_space<vmem>>) dst(%dma_wait3A_18 : memref<4096xi32, #tpu.memory_space<vmem_shared>>)
        tpu.yield
      }) : () -> ()
    } else {
    }
    %barrier3A = arith.constant 0 : index
    tpu.barrier barrier_id(%barrier3A)
    %eq3A_2 = arith.constant 0 : i32
    %eq3A_3 = arith.cmpi eq, %arg0, %eq3A_2 : i32
    %eq3A_4 = arith.constant 0 : i32
    %eq3A_5 = arith.cmpi eq, %arg1, %eq3A_4 : i32
    %and3A = arith.andi %eq3A_3, %eq3A_5 : i1
    %convert_element_type3A_6 = arith.extui %and3A : i1 to i32
    %cond3A_7 = arith.constant 0 : i32
    %cond3A_8 = arith.cmpi ne, %convert_element_type3A_6, %cond3A_7 : i32
    scf.if %cond3A_8 {
      %broadcast_in_dim3A = arith.constant 19903022 : i32
      %broadcast_in_dim3A_9 = vector.broadcast %broadcast_in_dim3A : i32 to vector<16xi32>
      %broadcast_in_dim3A_10 = arith.constant 15 : i32
      %broadcast_in_dim3A_11 = vector.broadcast %broadcast_in_dim3A_10 : i32 to vector<16xi32>
      %broadcast_in_dim3A_12 = arith.constant 0 : i32
      %broadcast_in_dim3A_13 = vector.broadcast %broadcast_in_dim3A_12 : i32 to vector<16xi32>
      %broadcast_in_dim3A_14 = arith.constant false
      %broadcast_in_dim3A_15 = vector.broadcast %broadcast_in_dim3A_14 : i1 to vector<16xi1>
      %scan3A = arith.constant 0 : i32
      %scan3A_16 = arith.constant 16 : i32
      %scan3A_17 = arith.addi %scan3A, %scan3A_16 : i32
      %scan3A_18 = arith.constant 1 : i32
      %scan3A_19:5 = scf.for %scan3A_24 = %scan3A to %scan3A_17 step %scan3A_18 iter_args(%scan3A_25 = %broadcast_in_dim3A_13, %scan3A_26 = %broadcast_in_dim3A_15, %scan3A_27 = %broadcast_in_dim3A_13, %scan3A_28 = %broadcast_in_dim3A_13, %scan3A_29 = %broadcast_in_dim3A_13) -> (vector<16xi32>, vector<16xi1>, vector<16xi32>, vector<16xi32>, vector<16xi32>)  : i32 {
        %mul3A = arith.constant 4096 : i32
        %mul3A_30 = arith.muli %scan3A_24, %mul3A : i32
        "tpu.region"() ({
          %run_scoped3A = tpu.sem_alloc : memref<!tpu.dma_semaphore, #tpu.memory_space<semaphore_mem>>
          %dma_start3A = tpu.memref_slice %arg7[%mul3A_30] : memref<65536xi32, #tpu.memory_space<vmem_shared>> -> memref<4096xi32, #tpu.memory_space<vmem_shared>>
          %dma_start3A_37 = tpu.memref_slice %arg7[%mul3A_30] : memref<65536xi32, #tpu.memory_space<vmem_shared>> -> memref<4096xi32, #tpu.memory_space<vmem_shared>>
          tpu.enqueue_dma source(%dma_start3A_37 : memref<4096xi32, #tpu.memory_space<vmem_shared>>) target(%arg5 : memref<4096xi32, #tpu.memory_space<vmem>>) target_semaphore(%run_scoped3A : memref<!tpu.dma_semaphore, #tpu.memory_space<semaphore_mem>>)
          %dma_wait3A = tpu.memref_slice %arg7[%mul3A_30] : memref<65536xi32, #tpu.memory_space<vmem_shared>> -> memref<4096xi32, #tpu.memory_space<vmem_shared>>
          %dma_wait3A_38 = tpu.memref_slice %arg7[%mul3A_30] : memref<65536xi32, #tpu.memory_space<vmem_shared>> -> memref<4096xi32, #tpu.memory_space<vmem_shared>>
          tpu.wait_dma2 semaphore(%run_scoped3A : memref<!tpu.dma_semaphore, #tpu.memory_space<semaphore_mem>>) src(%dma_wait3A_38 : memref<4096xi32, #tpu.memory_space<vmem_shared>>) dst(%arg5 : memref<4096xi32, #tpu.memory_space<vmem>>)
          tpu.yield
        }) : () -> ()
        %scan3A_31 = arith.constant 0 : i32
        %scan3A_32 = arith.constant 256 : i32
        %scan3A_33 = arith.addi %scan3A_31, %scan3A_32 : i32
        %scan3A_34 = arith.constant 1 : i32
        %scan3A_35:5 = scf.for %scan3A_37 = %scan3A_31 to %scan3A_33 step %scan3A_34 iter_args(%scan3A_38 = %scan3A_25, %scan3A_39 = %scan3A_26, %scan3A_40 = %scan3A_27, %scan3A_41 = %scan3A_28, %scan3A_42 = %scan3A_29) -> (vector<16xi32>, vector<16xi1>, vector<16xi32>, vector<16xi32>, vector<16xi32>)  : i32 {
          %mul3A_43 = arith.constant 16 : i32
          %mul3A_44 = arith.muli %scan3A_37, %mul3A_43 : i32
          %get3A = arith.index_cast %mul3A_44 : i32 to index
          %get3A_45 = tpu.vector_load %arg5[%get3A] {strides = array<i32>} : memref<4096xi32, #tpu.memory_space<vmem>>, vector<16xi32>,
          %broadcast_in_dim3A_46 = arith.constant true
          %broadcast_in_dim3A_47 = vector.broadcast %broadcast_in_dim3A_46 : i1 to vector<16xi1>
          %masked_cumsum3A = tpu.scan <sum>, %get3A_45 masked %broadcast_in_dim3A_47 : vector<16xi32>, vector<16xi1> -> vector<16xi32>
          %add3A_48 = arith.addi %masked_cumsum3A, %scan3A_38 : vector<16xi32>
          %ge3A = arith.cmpi sge, %add3A_48, %broadcast_in_dim3A_9 : vector<16xi32>
          %all_reduce_population_count3A = tpu.all_reduce %ge3A {dim = 0 : i64, kind = #tpu.reduction_kind<sum>} : vector<16xi1> -> vector<16xi32>
          %gt3A = arith.constant 0 : i32
          %gt3A_49 = vector.broadcast %gt3A : i32 to vector<16xi32>
          %gt3A_50 = arith.cmpi sgt, %all_reduce_population_count3A, %gt3A_49 : vector<16xi32>
          %all_reduce_ffs3A = tpu.all_reduce %ge3A {dim = 0 : i64, kind = #tpu.reduction_kind<find_first_set>} : vector<16xi1> -> vector<16xi32>
          %min3A = arith.minsi %all_reduce_ffs3A, %broadcast_in_dim3A_11 : vector<16xi32>
          %not3A = arith.constant dense<true> : vector<16xi1>
          %not3A_51 = arith.xori %scan3A_39, %not3A : vector<16xi1>
          %and3A_52 = arith.andi %gt3A_50, %not3A_51 : vector<16xi1>
          %mul3A_53 = arith.constant 256 : i32
          %mul3A_54 = arith.muli %scan3A_24, %mul3A_53 : i32
          %add3A_55 = arith.addi %mul3A_54, %scan3A_37 : i32
          %mul3A_56 = arith.constant 16 : i32
          %mul3A_57 = arith.muli %add3A_55, %mul3A_56 : i32
          %add3A_58 = vector.broadcast %mul3A_57 : i32 to vector<16xi32>
          %add3A_59 = arith.addi %all_reduce_ffs3A, %add3A_58 : vector<16xi32>
          %select_n3A = arith.select %and3A_52, %add3A_59, %scan3A_40 : vector<16xi1>, vector<16xi32>
          %broadcast_in_dim3A_60 = vector.shape_cast %min3A : vector<16xi32> to vector<16x1xi32>
          %gather3A = vector.shape_cast %broadcast_in_dim3A_60 : vector<16x1xi32> to vector<16xi32>
          %gather3A_61 = tpu.dynamic_gather %add3A_48[%gather3A] in [0] : vector<16xi32>, vector<16xi32> -> vector<16xi32>
          %select_n3A_62 = arith.select %and3A_52, %gather3A_61, %scan3A_41 : vector<16xi1>, vector<16xi32>
          %broadcast_in_dim3A_63 = vector.shape_cast %min3A : vector<16xi32> to vector<16x1xi32>
          %gather3A_64 = vector.shape_cast %broadcast_in_dim3A_63 : vector<16x1xi32> to vector<16xi32>
          %gather3A_65 = tpu.dynamic_gather %get3A_45[%gather3A_64] in [0] : vector<16xi32>, vector<16xi32> -> vector<16xi32>
          %select_n3A_66 = arith.select %and3A_52, %gather3A_65, %scan3A_42 : vector<16xi1>, vector<16xi32>
          %or3A = arith.ori %scan3A_39, %gt3A_50 : vector<16xi1>
          %broadcast_in_dim3A_67 = vector.shape_cast %broadcast_in_dim3A_11 : vector<16xi32> to vector<16x1xi32>
          %gather3A_68 = vector.shape_cast %broadcast_in_dim3A_67 : vector<16x1xi32> to vector<16xi32>
          %gather3A_69 = tpu.dynamic_gather %add3A_48[%gather3A_68] in [0] : vector<16xi32>, vector<16xi32> -> vector<16xi32>
          scf.yield %gather3A_69, %or3A, %select_n3A, %select_n3A_62, %select_n3A_66 : vector<16xi32>, vector<16xi1>, vector<16xi32>, vector<16xi32>, vector<16xi32>
        }
        %scan3A_36 = arith.constant 256 : i32
        scf.yield %scan3A_35#0, %scan3A_35#1, %scan3A_35#2, %scan3A_35#3, %scan3A_35#4 : vector<16xi32>, vector<16xi1>, vector<16xi32>, vector<16xi32>, vector<16xi32>
      }
      %scan3A_20 = arith.constant 16 : i32
      %sub3A = arith.subi %scan3A_19#4, %scan3A_19#3 : vector<16xi32>
      %add3A = arith.addi %sub3A, %broadcast_in_dim3A_9 : vector<16xi32>
      %swap3A = arith.constant 0 : index
      %swap3A_21 = tpu.vector_load %arg6[%swap3A] {strides = array<i32>} : memref<32xi32, #tpu.memory_space<vmem>>, vector<16xi32>,
      tpu.vector_store %arg6[%swap3A], %scan3A_19#2 {strides = array<i32>} : memref<32xi32, #tpu.memory_space<vmem>>, vector<16xi32>,
      %swap3A_22 = arith.constant 16 : index
      %swap3A_23 = tpu.vector_load %arg6[%swap3A_22] {strides = array<i32>} : memref<32xi32, #tpu.memory_space<vmem>>, vector<16xi32>,
      tpu.vector_store %arg6[%swap3A_22], %add3A {strides = array<i32>} : memref<32xi32, #tpu.memory_space<vmem>>, vector<16xi32>,
      "tpu.region"() ({
        %run_scoped3A = tpu.sem_alloc : memref<!tpu.dma_semaphore, #tpu.memory_space<semaphore_mem>>
        tpu.enqueue_dma source(%arg6 : memref<32xi32, #tpu.memory_space<vmem>>) target(%arg3 : memref<32xi32, #tpu.memory_space<hbm>>) target_semaphore(%run_scoped3A : memref<!tpu.dma_semaphore, #tpu.memory_space<semaphore_mem>>)
        tpu.wait_dma2 semaphore(%run_scoped3A : memref<!tpu.dma_semaphore, #tpu.memory_space<semaphore_mem>>) src(%arg6 : memref<32xi32, #tpu.memory_space<vmem>>) dst(%arg3 : memref<32xi32, #tpu.memory_space<hbm>>)
        tpu.yield
      }) : () -> ()
    } else {
    }
    return
  }
}

module attributes {stable_mosaic.version = 14 : i64} {
  func.func @_loss_body(%arg0: i32, %arg1: memref<1024x512xf32, #tpu.memory_space<vmem>>, %arg2: memref<1024x512xf32, #tpu.memory_space<vmem>>, %arg3: memref<524288xf32, #tpu.memory_space<vmem>>) attributes {dimension_semantics = [#tpu.dimension_semantics<arbitrary>], iteration_bounds = array<i64: 38>, scalar_prefetch = 0 : i64, scratch_operands = 0 : i64, tpu.core_type = #tpu.core_type<tc>, window_params = [{transform_indices = @transform_0, window_bounds = array<i64: 1024, 512>}, {transform_indices = @transform_1, window_bounds = array<i64: 1024, 512>}, {transform_indices = @transform_2, window_bounds = array<i64: 524288>}]} {
    %get3A = arith.constant 0 : index
    %get3A_0 = arith.constant 0 : index
    %get3A_1 = vector.load %arg1[%get3A, %get3A_0] : memref<1024x512xf32, #tpu.memory_space<vmem>>, vector<1024x512xf32>
    %get3A_2 = arith.constant 0 : index
    %get3A_3 = arith.constant 0 : index
    %get3A_4 = vector.load %arg2[%get3A_2, %get3A_3] : memref<1024x512xf32, #tpu.memory_space<vmem>>, vector<1024x512xf32>
    %max3A = arith.constant 0.000000e+00 : f32
    %max3A_5 = vector.broadcast %max3A : f32 to vector<1024x512xf32>
    %max3A_6 = arith.maximumf %get3A_1, %max3A_5 : vector<1024x512xf32>
    %mul3A = arith.mulf %get3A_1, %get3A_4 : vector<1024x512xf32>
    %sub3A = arith.subf %max3A_6, %mul3A : vector<1024x512xf32>
    %abs3A = math.absf %get3A_1 : vector<1024x512xf32>
    %neg3A = arith.constant 0.000000e+00 : f32
    %neg3A_7 = vector.broadcast %neg3A : f32 to vector<1024x512xf32>
    %neg3A_8 = arith.subf %neg3A_7, %abs3A : vector<1024x512xf32>
    %exp3A = math.exp %neg3A_8 : vector<1024x512xf32>
    %log1p3A = math.log1p %exp3A : vector<1024x512xf32>
    %add3A = arith.addf %sub3A, %log1p3A : vector<1024x512xf32>
    %reshape3A = vector.shape_cast %add3A : vector<1024x512xf32> to vector<524288xf32>
    %swap3A = arith.constant 0 : index
    %swap3A_9 = vector.load %arg3[%swap3A] : memref<524288xf32, #tpu.memory_space<vmem>>, vector<524288xf32>
    tpu.vector_store %arg3[%swap3A], %reshape3A {strides = array<i32>} : memref<524288xf32, #tpu.memory_space<vmem>>, vector<524288xf32>,
    return
  }
  func.func @transform_0(%arg0: i32) -> (i32, i32) {
    %c0_i32 = arith.constant 0 : i32
    %c0_i32_0 = arith.constant 0 : i32
    return %arg0, %c0_i32 : i32, i32
  }
  func.func @transform_1(%arg0: i32) -> (i32, i32) {
    %c0_i32 = arith.constant 0 : i32
    %c0_i32_0 = arith.constant 0 : i32
    return %arg0, %c0_i32 : i32, i32
  }
  func.func @transform_2(%arg0: i32) -> i32 {
    %c0_i32 = arith.constant 0 : i32
    return %arg0 : i32
  }
}

module attributes {stable_mosaic.version = 14 : i64} {
  func.func @_reduce_body(%arg0: i32, %arg1: i32, %arg2: memref<1x1xf32, #tpu.memory_space<smem>>, %arg3: memref<622592xf32, #tpu.memory_space<vmem>>, %arg4: memref<4x128xf32, #tpu.memory_space<vmem>>, %arg5: memref<1x128xf32, #tpu.memory_space<vmem>>, %arg6: memref<1x128xf32, #tpu.memory_space<vmem>>) attributes {dimension_semantics = [#tpu.dimension_semantics<arbitrary>, #tpu.dimension_semantics<arbitrary>], iteration_bounds = array<i64: 4, 8>, scalar_prefetch = 0 : i64, scratch_operands = 2 : i64, tpu.core_type = #tpu.core_type<tc>, window_params = [{transform_indices = @transform_0, window_bounds = array<i64: 1, 1>}, {transform_indices = @transform_1, window_bounds = array<i64: 622592>}, {pipeline_mode = #tpu.pipeline_mode<synchronous>, transform_indices = @transform_2, window_bounds = array<i64: 4, 128>}]} {
    %get3A = arith.constant 0 : index
    %get3A_0 = arith.constant 0 : index
    %get3A_1 = memref.load %arg2[%get3A, %get3A_0] : memref<1x1xf32, #tpu.memory_space<smem>>
    %get3A_2 = arith.constant 0 : index
    %get3A_3 = vector.load %arg3[%get3A_2] : memref<622592xf32, #tpu.memory_space<vmem>>, vector<622592xf32>
    %reshape3A = vector.shape_cast %get3A_3 : vector<622592xf32> to vector<4864x128xf32>
    %gt3A = vector.broadcast %get3A_1 : f32 to vector<4864x128xf32>
    %gt3A_4 = arith.cmpf ogt, %reshape3A, %gt3A : vector<4864x128xf32>
    %jit3A = arith.constant 0.000000e+00 : f32
    %broadcast_in_dim3A = vector.broadcast %jit3A : f32 to vector<4864x128xf32>
    %select_n3A = arith.select %gt3A_4, %reshape3A, %broadcast_in_dim3A : vector<4864x128xi1>, vector<4864x128xf32>
    %reduce_sum3A = arith.constant dense<0.000000e+00> : vector<128xf32>
    %reduce_sum3A_5 = vector.multi_reduction <add>, %select_n3A, %reduce_sum3A [0] : vector<4864x128xf32> to vector<128xf32>
    %broadcast_in_dim3A_6 = vector.shape_cast %reduce_sum3A_5 : vector<128xf32> to vector<1x128xf32>
    %convert_element_type3A = arith.extui %gt3A_4 : vector<4864x128xi1> to vector<4864x128xi32>
    %convert_element_type3A_7 = arith.sitofp %convert_element_type3A : vector<4864x128xi32> to vector<4864x128xf32>
    %reduce_sum3A_8 = arith.constant dense<0.000000e+00> : vector<128xf32>
    %reduce_sum3A_9 = vector.multi_reduction <add>, %convert_element_type3A_7, %reduce_sum3A_8 [0] : vector<4864x128xf32> to vector<128xf32>
    %broadcast_in_dim3A_10 = vector.shape_cast %reduce_sum3A_9 : vector<128xf32> to vector<1x128xf32>
    %eq3A = arith.constant 0 : i32
    %eq3A_11 = arith.cmpi eq, %arg1, %eq3A : i32
    %convert_element_type3A_12 = arith.extui %eq3A_11 : i1 to i32
    %cond3A = arith.constant 0 : i32
    %cond3A_13 = arith.cmpi ne, %convert_element_type3A_12, %cond3A : i32
    scf.if %cond3A_13 {
      %swap3A = arith.constant 0 : index
      %swap3A_24 = arith.constant 0 : index
      %swap3A_25 = vector.load %arg5[%swap3A, %swap3A_24] : memref<1x128xf32, #tpu.memory_space<vmem>>, vector<1x128xf32>
      tpu.vector_store %arg5[%swap3A, %swap3A_24], %broadcast_in_dim3A_6 {strides = array<i32>} : memref<1x128xf32, #tpu.memory_space<vmem>>, vector<1x128xf32>,
      %swap3A_26 = arith.constant 0 : index
      %swap3A_27 = arith.constant 0 : index
      %swap3A_28 = vector.load %arg6[%swap3A_26, %swap3A_27] : memref<1x128xf32, #tpu.memory_space<vmem>>, vector<1x128xf32>
      tpu.vector_store %arg6[%swap3A_26, %swap3A_27], %broadcast_in_dim3A_10 {strides = array<i32>} : memref<1x128xf32, #tpu.memory_space<vmem>>, vector<1x128xf32>,
    } else {
    }
    %gt3A_14 = arith.constant 0 : i32
    %gt3A_15 = arith.cmpi sgt, %arg1, %gt3A_14 : i32
    %convert_element_type3A_16 = arith.extui %gt3A_15 : i1 to i32
    %cond3A_17 = arith.constant 0 : i32
    %cond3A_18 = arith.cmpi ne, %convert_element_type3A_16, %cond3A_17 : i32
    scf.if %cond3A_18 {
      %get3A_24 = arith.constant 0 : index
      %get3A_25 = arith.constant 0 : index
      %get3A_26 = vector.load %arg5[%get3A_24, %get3A_25] : memref<1x128xf32, #tpu.memory_space<vmem>>, vector<1x128xf32>
      %add3A = arith.addf %get3A_26, %broadcast_in_dim3A_6 : vector<1x128xf32>
      %swap3A = arith.constant 0 : index
      %swap3A_27 = arith.constant 0 : index
      %swap3A_28 = vector.load %arg5[%swap3A, %swap3A_27] : memref<1x128xf32, #tpu.memory_space<vmem>>, vector<1x128xf32>
      tpu.vector_store %arg5[%swap3A, %swap3A_27], %add3A {strides = array<i32>} : memref<1x128xf32, #tpu.memory_space<vmem>>, vector<1x128xf32>,
      %get3A_29 = arith.constant 0 : index
      %get3A_30 = arith.constant 0 : index
      %get3A_31 = vector.load %arg6[%get3A_29, %get3A_30] : memref<1x128xf32, #tpu.memory_space<vmem>>, vector<1x128xf32>
      %add3A_32 = arith.addf %get3A_31, %broadcast_in_dim3A_10 : vector<1x128xf32>
      %swap3A_33 = arith.constant 0 : index
      %swap3A_34 = arith.constant 0 : index
      %swap3A_35 = vector.load %arg6[%swap3A_33, %swap3A_34] : memref<1x128xf32, #tpu.memory_space<vmem>>, vector<1x128xf32>
      tpu.vector_store %arg6[%swap3A_33, %swap3A_34], %add3A_32 {strides = array<i32>} : memref<1x128xf32, #tpu.memory_space<vmem>>, vector<1x128xf32>,
    } else {
    }
    %eq3A_19 = arith.constant 7 : i32
    %eq3A_20 = arith.cmpi eq, %arg1, %eq3A_19 : i32
    %convert_element_type3A_21 = arith.extui %eq3A_20 : i1 to i32
    %cond3A_22 = arith.constant 0 : i32
    %cond3A_23 = arith.cmpi ne, %convert_element_type3A_21, %cond3A_22 : i32
    scf.if %cond3A_23 {
      %get3A_24 = arith.constant 0 : index
      %get3A_25 = arith.constant 0 : index
      %get3A_26 = vector.load %arg5[%get3A_24, %get3A_25] : memref<1x128xf32, #tpu.memory_space<vmem>>, vector<1x128xf32>
      %reduce_sum3A_27 = vector.shape_cast %get3A_26 : vector<1x128xf32> to vector<1x1x128xf32>
      %reduce_sum3A_28 = arith.constant dense<0.000000e+00> : vector<1xf32>
      %reduce_sum3A_29 = vector.multi_reduction <add>, %reduce_sum3A_27, %reduce_sum3A_28 [1, 2] : vector<1x1x128xf32> to vector<1xf32>
      %reduce_sum3A_30 = vector.shape_cast %reduce_sum3A_29 : vector<1xf32> to vector<1x1x1xf32>
      %reduce_sum3A_31 = vector.extract %reduce_sum3A_30[0, 0, 0] : f32 from vector<1x1x1xf32>
      %get3A_32 = arith.constant 0 : index
      %get3A_33 = arith.constant 0 : index
      %get3A_34 = vector.load %arg6[%get3A_32, %get3A_33] : memref<1x128xf32, #tpu.memory_space<vmem>>, vector<1x128xf32>
      %reduce_sum3A_35 = vector.shape_cast %get3A_34 : vector<1x128xf32> to vector<1x1x128xf32>
      %reduce_sum3A_36 = arith.constant dense<0.000000e+00> : vector<1xf32>
      %reduce_sum3A_37 = vector.multi_reduction <add>, %reduce_sum3A_35, %reduce_sum3A_36 [1, 2] : vector<1x1x128xf32> to vector<1xf32>
      %reduce_sum3A_38 = vector.shape_cast %reduce_sum3A_37 : vector<1xf32> to vector<1x1x1xf32>
      %reduce_sum3A_39 = vector.extract %reduce_sum3A_38[0, 0, 0] : f32 from vector<1x1x1xf32>
      %div3A = arith.divf %reduce_sum3A_31, %reduce_sum3A_39 : f32
      %broadcast_in_dim3A_40 = vector.broadcast %div3A : f32 to vector<1x128xf32>
      %swap3A = arith.index_cast %arg0 : i32 to index
      %swap3A_41 = arith.constant 0 : index
      %swap3A_42 = vector.load %arg4[%swap3A, %swap3A_41] : memref<4x128xf32, #tpu.memory_space<vmem>>, vector<1x128xf32>
      tpu.vector_store %arg4[%swap3A, %swap3A_41], %broadcast_in_dim3A_40 {strides = array<i32>} : memref<4x128xf32, #tpu.memory_space<vmem>>, vector<1x128xf32>,
    } else {
    }
    return
  }
  func.func @transform_0(%arg0: i32, %arg1: i32) -> (i32, i32) {
    %c0_i32 = arith.constant 0 : i32
    %c0_i32_0 = arith.constant 0 : i32
    %c0_i32_1 = arith.constant 0 : i32
    return %c0_i32, %c0_i32_0 : i32, i32
  }
  func.func @transform_1(%arg0: i32, %arg1: i32) -> i32 {
    %mul3A = arith.constant 8 : i32
    %mul3A_0 = arith.muli %arg0, %mul3A : i32
    %add3A = arith.addi %mul3A_0, %arg1 : i32
    %c0_i32 = arith.constant 0 : i32
    return %add3A : i32
  }
  func.func @transform_2(%arg0: i32, %arg1: i32) -> (i32, i32) {
    %c0_i32 = arith.constant 0 : i32
    %c0_i32_0 = arith.constant 0 : i32
    %c0_i32_1 = arith.constant 0 : i32
    return %c0_i32, %c0_i32_0 : i32, i32
  }
}

</mosaic_0001>

<sc_bundles>
// kernel: kernel.11.cloned.1.call-start
scs
__scs_entry_jumppad:
0x0: {  	(pc) =	sbr.rel $0x88, $3  }
0x1: {  	(tag) =	ssettag $0x0;
	lr =	simm.s32 $0x1  }
0x2: {  	[smem:$0x3F9F] =	sst lr;
	_ =	strace $0xD0000000  }
0x3: {  	_ = 	snop  }
0x4: {  	_ = 	snop  }
0x5: {  	_ = 	snop  }
0x6: {  	_ = 	snop  }
0x7: {  	_ = 	snop  }
__scs_overlays_trampoline_lowered:
0x8: {  	[smem:$0x3FAE] =	sst s0  }
0x9: {  	[smem:$0x3FAF] =	sst s1  }
0xa: {  	[smem:$0x3FB0] =	sst s2  }
0xb: {  	[smem:$0x3FB1] =	sst s3  }
0xc: {  	[smem:$0x3FB2] =	sst s4  }
0xd: {  	[smem:$0x3FB3] =	sst s5  }
0xe: {  	[smem:$0x3FB4] =	sst s6  }
0xf: {  	[smem:$0x3FB5] =	sst s7  }
0x10: {  	[smem:$0x3FB6] =	sst s8  }
0x11: {  	[smem:$0x3FB7] =	sst s9;
	s0 =	simm.s32 @!p0 $0x0  }
0x12: {  	s1 =	sld [smem:$0x3F9D];
	s0 =	simm.s32 @p0 $0x1  }
0x13: {  	[smem:$0x3FB8] =	sst s0;
	s0 =	simm.s32 @!p1 $0x0  }
0x14: {  	s2 =	sld [smem:$0x3F9C];
	s0 =	simm.s32 @p1 $0x1  }
0x15: {  	[smem:$0x3FB9] =	sst s0;
	s0 =	simm.s32 @!p2 $0x0  }
0x16: {  	s3 =	sld [smem:$0x3FDB];
	s0 =	simm.s32 @p2 $0x1  }
0x17: {  	s4 =	simm.s32 $0x1BF5;
	[smem:$0x3FBB] =	sst s0  }
0x18: {  	s0 =	sld [smem:$0x3F9E];
	_ =	swait.ge [sflag:s4], $0x0  }
0x19: {  	s7 =	sld [smem:$0x3F9F]  }
0x1a: {  	s8 =	sadd.s32 $0xFFFFE003, lr  }
0x1b: {  	s9 =	sadd.s32 $0xFFFFFEF7, lr;
	s5 =	simm.s32 $0xFFFFFFFF;
	p2 =	slt.u32 s8, $0xFFFFF086  }
0x1c: {  	p1 =	slt.u32 s9, $0xF7A;
	s5 =	simm.s32 @!p2 $0x0  }
0x1d: {  	s5 =	simm.s32 @p1 $0x1;
	p0 =	seq.s32 s7, s2  }
0x1e: {  	s7 =	smul.u32 @!p0 $0xF7A, s2;
	p2 =	seq.s32 @!p0 s5, $0x0  }
0x1f: {  	s9 =	smul.u32 $0xF7A, s1;
	s8 =	simm.s32 @!p0 $0x1BF5;
	p2 =	por !p2, p0  }
0x20: {  	[sflag:s8] =	ssyncset.s32 @!p0 $0xFFFFF086;
	s6 =	sadd.s32 @!p0 s3, s7;
	s7 =	simm.s32 @!p0 $0x108  }
0x21: {  	s3 =	sadd.s32 s3, s9;
	s6 =	sadd.s32 @!p0 $0x88, s6;
	s7 =	simm.s32 @p2 $0x1082  }
0x22: {  	[simem:s7], [sflag:s8] =	dma.local @!p0 [hbm:s6], $0xF7A  }
0x23: {  	s9 =	sor.u32 $0xD0000000, s2;
	s6 =	simm.s32 $0x108;
	_ =	swait.ge @!p0 [sflag:s8], $0x0  }
0x24: {  	s3 =	sadd.s32 $0x88, s3;
	s6 =	simm.s32 @!p1 $0x1082;
	[sflag:s4] =	ssyncset.s32 $0xFFFFF086  }
0x25: {  	[simem:s6], [sflag:s4] =	dma.local [hbm:s3], $0xF7A  }
0x26: {  	[smem:$0x3F9F] =	sst s1;
	(tag) =	ssettag s2;
	_ =	strace s9  }
0x27: {  	s1 =	sld [smem:$0x3FAF]  }
0x28: {  	s2 =	sld [smem:$0x3FB0]  }
0x29: {  	s4 =	sld [smem:$0x3FB2]  }
0x2a: {  	p0 =	seq.s32 s5, $0x0;
	s5 =	sld [smem:$0x3FB3]  }
0x2b: {  	s6 =	sld [smem:$0x3FB4]  }
0x2c: {  	s7 =	sld [smem:$0x3FB5]  }
0x2d: {  	s3 =	simm.s32 $0x108;
	s8 =	sld [smem:$0x3FB6]  }
0x2e: {  	s3 =	simm.s32 @!p0 $0x1082;
	s9 =	sld [smem:$0x3FB7]  }
0x2f: {  	lr =	sadd.s32 s0, s3;
	s0 =	sld [smem:$0x3FAE]  }
0x30: {  	s3 =	sld [smem:$0x3FB1]  }
0x31: {  	[smem:$0x3FBA] =	sst s10  }
0x32: {  	s10 =	sld [smem:$0x3FB8];
	_ =	sdelay $0x3  }
0x33: {  	p0 =	seq.s32 s10, $0x1;
	s10 =	sld [smem:$0x3FBA];
	_ =	sdelay $0x3  }
0x34: {  	[smem:$0x3FBA] =	sst s10  }
0x35: {  	s10 =	sld [smem:$0x3FB9];
	_ =	sdelay $0x3  }
0x36: {  	p1 =	seq.s32 s10, $0x1;
	s10 =	sld [smem:$0x3FBA];
	_ =	sdelay $0x3  }
0x37: {  	[smem:$0x3FBA] =	sst s10  }
0x38: {  	s10 =	sld [smem:$0x3FBB]  }
0x39: {  	_ = 	snop;
	(pc) =	sbr.ind lr, $3  }
0x3a: {  	_ = 	snop  }
0x3b: {  	_ = 	snop  }
0x3c: {  	p2 =	seq.s32 s10, $0x1;
	s10 =	sld [smem:$0x3FBA]  }
0x3d: {  	_ =	shalt  }
0x3e: {  	_ =	shalt  }
0x3f: {  	_ =	shalt  }
0x40: {  	_ =	shalt  }
0x41: {  	_ =	shalt  }
0x42: {  	_ =	shalt  }
0x43: {  	_ =	shalt  }
0x44: {  	_ =	shalt  }
0x45: {  	_ =	shalt  }
0x46: {  	_ =	shalt  }
0x47: {  	_ =	shalt  }
0x48: {  	_ =	shalt  }
0x49: {  	_ =	shalt  }
0x4a: {  	_ =	shalt  }
0x4b: {  	_ =	shalt  }
0x4c: {  	_ =	shalt  }
0x4d: {  	_ =	shalt  }
0x4e: {  	_ =	shalt  }
0x4f: {  	_ =	shalt  }
0x50: {  	_ =	shalt  }
0x51: {  	_ =	shalt  }
0x52: {  	_ =	shalt  }
0x53: {  	_ =	shalt  }
0x54: {  	_ =	shalt  }
0x55: {  	_ =	shalt  }
0x56: {  	_ =	shalt  }
0x57: {  	_ =	shalt  }
0x58: {  	_ =	shalt  }
0x59: {  	_ =	shalt  }
0x5a: {  	_ =	shalt  }
0x5b: {  	_ =	shalt  }
0x5c: {  	_ =	shalt  }
0x5d: {  	_ =	shalt  }
0x5e: {  	_ =	shalt  }
0x5f: {  	_ =	shalt  }
0x60: {  	_ =	shalt  }
0x61: {  	_ =	shalt  }
0x62: {  	_ =	shalt  }
0x63: {  	_ =	shalt  }
0x64: {  	_ =	shalt  }
0x65: {  	_ =	shalt  }
0x66: {  	_ =	shalt  }
0x67: {  	_ =	shalt  }
0x68: {  	_ =	shalt  }
0x69: {  	_ =	shalt  }
0x6a: {  	_ =	shalt  }
0x6b: {  	_ =	shalt  }
0x6c: {  	_ =	shalt  }
0x6d: {  	_ =	shalt  }
0x6e: {  	_ =	shalt  }
0x6f: {  	_ =	shalt  }
0x70: {  	_ =	shalt  }
0x71: {  	_ =	shalt  }
0x72: {  	_ =	shalt  }
0x73: {  	_ =	shalt  }
0x74: {  	_ =	shalt  }
0x75: {  	_ =	shalt  }
0x76: {  	_ =	shalt  }
0x77: {  	_ =	shalt  }
0x78: {  	_ =	shalt  }
0x79: {  	_ =	shalt  }
0x7a: {  	_ =	shalt  }
0x7b: {  	_ =	shalt  }
0x7c: {  	_ =	shalt  }
0x7d: {  	_ =	shalt  }
0x7e: {  	_ =	shalt  }
0x7f: {  	_ =	shalt  }
0x80: {  	_ =	shalt  }
0x81: {  	_ =	shalt  }
0x82: {  	_ =	shalt  }
0x83: {  	_ =	shalt  }
0x84: {  	_ =	shalt  }
0x85: {  	_ =	shalt  }
0x86: {  	_ =	shalt  }
0x87: {  	_ =	shalt  }
.Lfunc_end0:
.L_simem_size_0:
called_computation.1_lowered:
.L_overlay_start_0:
0x88: {  	s2 =	sld [smem:$0x3FD9]  }
0x89: {  	s3 =	sld [smem:$0x3FFE];
	_ =	sdelay $0x1  }
0x8a: {  	s1 =	srdreg.scid  }
0x8b: {  	s0 =	sand.u32 $0x1, s1  }
0x8c: {  	s16 =	sshll.u32 s0, $0xA;
	s2 =	sadd.s32 s3, s2  }
0x8d: {  	s2 =	sadd.s32 s2, s16  }
0x8e: {  	[smem:$0x3FC6] =	sst s2  }
0x8f: {  	_ = 	snop  }
0x90: {  	(tm) =	ssettm $0x1  }
0x91: {  	s17 =	sld [smem:$0x3FFB];
	_ =	sdelay $0x3  }
0x92: {  	_ =	strace s17  }
0x93: {  	s2 =	sld [smem:$0x3FFC];
	_ =	sdelay $0x3  }
0x94: {  	_ =	strace s2  }
0x95: {  	s2 =	sld [smem:$0x3FFD];
	_ =	sdelay $0x3  }
0x96: {  	_ =	strace s2  }
0x97: {  	_ =	strace $0x8FFFFFFF  }
0x98: {  	s18 =	sld [smem:$0x3FDB];
	_ =	sdelay $0x1  }
0x99: {  	s19 =	simm.s32 $_scs_section_size  }
0x9a: {  	s4 =	simm.s32 $_size__tile_overlayer_lowered;
	s5 =	simm.s32 $_tile_overlayer_lowered  }
0x9b: {  	s22 =	simm.s32 $0x1BFF;
	s21 =	sshll.u32 s5, $0x1;
	s2 =	sadd.s32 s19, s18  }
0x9c: {  	s6 =	simm.s32 $0x0;
	s20 =	sshll.u32 s4, $0x1;
	s4 =	sadd.s32 s21, s2  }
0x9d: {  	[timem:s6], [sflag:s22] =	dma.local [hbm:s4], s20  }
0x9e: {  	_ =	swait.ge [sflag:s22], s20  }
0x9f: {  	s3 =	ssub.s32 $0x0, s20;
	[sflag:s22] =	ssyncset.done $0x0  }
0xa0: {  	[sflag:s22] =	ssyncadd.s32 s3;
	_ =	sdelay $0x1  }
0xa1: {  	s23 =	simm.s32 $0x1B8B  }
0xa2: {  	_ =	swait.ge [sflag:s23], $0x1  }
0xa3: {  	[sflag:s23] =	ssyncset.done $0x0  }
0xa4: {  	s25 =	simm.s32 $0x1B8E;
	s24 =	sld [smem:$0x3FFE];
	[sflag:s23] =	ssyncadd.s32 $0xFFFFFFFF  }
0xa5: {  	s26 =	simm.s32 $execute0_lowered;
	[smem:$0x3FD2] =	sst s25  }
0xa6: {  	s4 =	sshll.u32 s26, $0x1;
	_ =	strace $0x80000049;
	[dreg:$0x1] =	wrdreg $0xFFFFFFFF  }
0xa7: {  	s28 =	simm.s32 $_size_execute0_lowered;
	s2 =	sadd.s32 s2, s4;
	[dreg:$0x0] =	wrdreg $0x0  }
0xa8: {  	s4 =	sshll.u32 s28, $0x1;
	[dreg:$0x2] =	wrdreg s2  }
0xa9: {  	[dreg:$0x3] =	wrdreg s4  }
0xaa: {  	[dreg:$0x4] =	wrdreg $0xC0  }
0xab: {  	_ =	task [dreg:s6], $0x5FFFF  }
0xac: {  	[dreg:$0x1] =	wrdreg $0xFFFFFFFF  }
0xad: {  	[dreg:$0x0] =	wrdreg $0x60  }
0xae: {  	[dreg:$0x2] =	wrdreg s24  }
0xaf: {  	[dreg:$0x3] =	wrdreg $0x20200  }
0xb0: {  	[dreg:$0x4] =	wrdreg $0x9  }
0xb1: {  	_ =	task.clear_ibuf [dreg:s6], $0x5FFFF;
	_ =	strace $0x90000049  }
0xb2: {  	s29 =	simm.s32 $0x9;
	_ =	strace $0x8000004B  }
0xb3: {  	_ =	swait.ge [sflag:s29], $0x1  }
0xb4: {  	[sflag:s29] =	ssyncadd.s32 $0xFFFFFFFF  }
0xb5: {  	_ =	strace $0x9000004B  }
0xb6: {  	_ =	sfence  }
0xb7: {  	s30 =	sld [smem:$0x0];
	_ =	sdelay $0x2  }
0xb8: {  	s31 =	sshll.u32 s1, $0xD;
	s1 =	sshrl.u32 s1, $0x2  }
0xb9: {  	s3 =	sand.u32 $0x4000, s31;
	s1 =	sadd.s32 s1, s30  }
0xba: {  	s0 =	sor.u32 s3, s0;
	s1 =	sshll.u32 s1, $0x11  }
0xbb: {  	s0 =	sor.u32 s1, s0  }
0xbc: {  	s0 =	sadd.s32 $0x8F2B, s0  }
0xbd: {  	[sflag:s0] =	ssyncadd.remote.s32 $0x1  }
0xbe: {  	_ =	sfence.sel $0xFFFF  }
0xbf: {  	[dreg:$0x0] =	wrdreg $0xFFFFFFFF;
	(pc) =	sbr.abs _section_cstart, $3  }
0xc0: {  	[dreg:$0x1] =	wrdreg $0xFFFFFFFF  }
0xc1: {  	_ =	task.clear_ibuf [dreg:s6], $0x2FFFF;
	_ =	strace $0x9FFFFFFF  }
0xc2: {  	(tm) =	ssettm $0x7FFFFFFF  }
0xc3: {  	_ =	shalt  }
tec
execute0_lowered:
.L_overlay_start_1:
0x0: {  	(tag) =	ssettag $0x1  }
0x1: {  	s5 =	rddreg [dreg:$0x0]  }
0x2: {  	s1 =	rddreg [dreg:$0x1]  }
0x3: {  	s0 =	rddreg [dreg:$0x2]  }
0x4: {  	s2 =	simm.s32 $0x0;
	s3 =	srdreg.scid;
	s11 =	simm.s32 $0x1  }
0x5: {  	s13 =	simm.s32 $0x0;
	[smem:$0x7FF] =	sst s2;
	s10 =	sand.u32 $0x1, s3  }
0x6: {  	s4 =	sadd.s32 $0x260E00, s5;
	s3 =	stileid.u32;
	s5 =	sadd.s32 $0x2A0E00, s5  }
.Ltmp0:
0x7: {  	_ =	strace $0x8000004A;
	s6 =	ssub.s32 $0x2, s10;
	(pc) =	sbr.rel .LBB2_1-.Ltmp0, $4  }
0x8: {  	s8 =	sshll.u32 s3, $0x9;
	s12 =	sor.u32 s3, s10;
	p0 =	sne.s32 s10, $0x0  }
0x9: {  	s10 =	simm.s32 $0x1000;
	s7 =	sshrl.u32 s6, $0x1;
	p1 =	sne.s32 s12, $0x0  }
0xa: {  	s12 =	simm.s32 $0x2000;
	s9 =	ssub.s32 s6, s7;
	s6 =	sshll.u32 s3, $0xC  }
0xb: {  	vm0 =	vmxor vm0, vm0;
	v0 =	vimm.s32 $0xF;
	s7 =	sadd.s32 s4, s8;
	s8 =	sadd.s32 s6, s1;
	s9 =	smax.u32 s9, $0x1  }
.LBB2_7:
.Ltmp1:
0xc: {  	(pc) =	sbr.rel @!p1 .LBB2_8-.Ltmp1, $2  }
0xd: {  	_ =	sdelay $0x1  }
0xe: {  	[bflag:$0x0] =	sbarrier.arrive $0xFFFF;
	_ =	sdelay $0x1  }
.LBB2_13:
0xf: {  	s13 =	sadd.s32 $0x1, s13  }
0x10: {  	p2 =	sne.s32 s13, s9  }
.Ltmp2:
0x11: {  	_ = 	snop;
	(pc) =	sbr.rel @!p2 .LBB2_14-.Ltmp2, $1  }
0x12: {  	_ =	sdelay $0x3  }
.LBB2_1:
.Ltmp3:
0x13: {  	(pc) =	sbr.rel @p0 .LBB2_7-.Ltmp3, $1  }
0x14: {  	_ =	sdelay $0x3  }
0x15: {  	[tilespmem:s2], [sflag:$0x1] =	stream.linear.gather [hbm4b:s7+s2], $0x1000, $0x38;
	[tilespmem:$0x3020] =	vst v63  }
0x16: {  	s14 =	simm.s32 $0x1  }
0x17: {  	_ =	swait.ge [sflag:s14], $0x1000  }
0x18: {  	[sflag:s14] =	ssyncset.done $0x0  }
0x19: {  	[sflag:s14] =	ssyncadd.s32 $0xFFFFF000  }
.LBB2_3:
0x1a: {  	s15 =	sshll.u32 s14, $0x10  }
0x1b: {  	s15 =	sor.u32 s6, s15  }
0x1c: {  	s15 =	sshrl.u32 s15, $0x3  }
0x1d: {  	s16 =	simm.s32 $0x0;
	s15 =	sadd.s32 s4, s15  }
0x1e: {  	[tilespmem:s10], [sflag:$0x1] =	stream.linear.gather [hbm4b:s15+s16], $0x1000, $0x38;
	[tilespmem:$0x3020] =	vst v63  }
0x1f: {  	_ =	swait.ge [sflag:s11], $0x1000  }
0x20: {  	[sflag:s11] =	ssyncset.done $0x0  }
0x21: {  	s15 =	simm.s32 $0x0;
	[sflag:s11] =	ssyncadd.s32 $0xFFFFF000  }
0x22: {  	s16 =	simm.s32 $0x40;
	v1 =	vld [tilespmem:s15+$0x1000]  }
.LBB2_4:
0x23: {  	p2 =	sne.s32 s16, $0x3FC0;
	v2 =	vld [tilespmem:s15+$0x0];
	_ =	sdelay $0x1  }
.Ltmp4:
0x24: {  	(pc) =	sbr.rel @p2 .LBB2_4-.Ltmp4, $3  }
0x25: {  	_ =	sdelay $0x1  }
0x26: {  	s17 =	sshra.s32 s16, $0x2;
	v2 =	vadd.s32 v2, v1  }
0x27: {  	s16 =	sadd.s32 $0x40, s16;
	v1 =	vld [tilespmem:s17+$0x1000];
	[tilespmem:s15+$0x0] =	vst v2;
	s15 =	smov.u32 s17  }
0x28: {  	v2 =	vld [tilespmem:s15+$0x0];
	s14 =	sadd.s32 $0x1, s14  }
0x29: {  	p2 =	sne.s32 s14, $0x20  }
.Ltmp5:
0x2a: {  	_ = 	snop;
	(pc) =	sbr.rel @p2 .LBB2_3-.Ltmp5, $3  }
0x2b: {  	_ =	sdelay $0x1  }
0x2c: {  	v1 =	vadd.s32 v2, v1  }
0x2d: {  	[tilespmem:s15+$0x0] =	vst v1  }
.Ltmp6:
0x2e: {  	(pc) =	sbr.rel .LBB2_7-.Ltmp6, $4  }
0x2f: {  	[spmem:s8] =	stream.linear.scatter [tilespmem:s2], [sflag:$0x1], $0x1000, $0x38;
	[tilespmem:$0x3020] =	vst v63  }
0x30: {  	_ =	swait.ge [sflag:s11], $0x1000  }
0x31: {  	[sflag:s11] =	ssyncset.done $0x0  }
0x32: {  	[sflag:s11] =	ssyncadd.s32 $0xFFFFF000  }
.LBB2_8:
0x33: {  	v2 =	vimm.s32 $0x0;
	v5 =	vimm.s32 $0x0  }
0x34: {  	s14 =	simm.s32 $0x0;
	v4 =	vimm.s32 $0x0;
	vm1 =	vmmov vm0;
	v1 =	vimm.s32 $0x0;
	s15 =	simm.s32 $0x0  }
.LBB2_9:
0x35: {  	s16 =	sshll.u32 s15, $0xC  }
0x36: {  	s16 =	sand.u32 $0x3FFFF000, s16  }
0x37: {  	s16 =	sadd.s32 s16, s1  }
0x38: {  	[tilespmem:s10], [sflag:$0x1] =	stream.linear.gather [spmem:s16], $0x1000, $0x38;
	[tilespmem:$0x3020] =	vst v63  }
0x39: {  	_ =	swait.ge [sflag:s11], $0x1000  }
0x3a: {  	[sflag:s11] =	ssyncset.done $0x0  }
0x3b: {  	s29 =	simm.s32 $0x0;
	[sflag:s11] =	ssyncadd.s32 $0xFFFFF000  }
0x3c: {  	v6 =	vld [tilespmem:s29+$0x1000];
	_ =	sdelay $0x4  }
0x3d: {  	(xrf0) =	vadd.scan.msk.s32 $0xffff, v6  }
0x3e: {  	s30 =	simm.s32 $0x10  }
0x3f: {  	v3 =	vld [tilespmem:s30+$0x1000];
	_ =	sdelay $0x3  }
0x40: {  	v7, _, _ =	vpop (xrf0)  }
0x41: {  	(xrf0) =	vadd.scan.msk.s32 $0xffff, v3;
	v7 =	vadd.s32 v1, v7  }
0x42: {  	s31 =	simm.s32 $0x20;
	vm2 =	vgt.s32 v7, $0x12FB22D  }
0x43: {  	v1 =	vld [tilespmem:s31+$0x1000];
	v8 =	vmpcnt.ones.xlane vm2;
	v9 =	vmctz.xlane vm2  }
0x44: {  	v10 =	vperm.xlane v7, v0  }
0x45: {  	vm2 =	vmneg vm1;
	vm3 =	vgt.s32 v8, $0x0;
	vm4 =	vlt.s32 v9, $0xF  }
0x46: {  	v11 =	vadd.s32 s14, v9;
	v8 =	vnsel vm4, $0xF, v9;
	vm1 =	vmor vm1, vm3  }
0x47: {  	vm3 =	vmand vm3, vm2;
	vm2 =	vmneg vm1;
	v9, _, _ =	vpop (xrf0);
	v12 =	vperm.xlane v7, v8  }
0x48: {  	s17 =	simm.s32 $0x100;
	v8 =	vperm.xlane v6, v8;
	v4 =	vsel vm3, v11, v4;
	(xrf0) =	vadd.scan.msk.s32 $0xffff, v1;
	v6 =	vadd.s32 v10, v9  }
0x49: {  	s18 =	simm.s32 $0x140;
	s19 =	simm.s32 $0x30;
	s16 =	smov.u32 s14;
	vm4 =	vgt.s32 v6, $0x12FB22D;
	v7 =	vperm.xlane v6, v0;
	v5 =	vsel vm3, v12, v5  }
.LBB2_10:
0x4a: {  	p2 =	sne.s32 s18, $0x3FC0;
	v9 =	vld [tilespmem:s19+$0x1000];
	v10 =	vmpcnt.ones.xlane vm4;
	v11 =	vmctz.xlane vm4;
	v2 =	vsel vm3, v8, v2  }
0x4b: {  	s16 =	sadd.s32 $0x10, s16  }
.Ltmp7:
0x4c: {  	vm4 =	vgt.s32 v10, $0x0;
	vm3 =	vlt.s32 v11, $0xF;
	v10 =	vadd.s32 s16, v11;
	(pc) =	sbr.rel @p2 .LBB2_10-.Ltmp7, $4  }
0x4d: {  	v8 =	vnsel vm3, $0xF, v11;
	vm3 =	vmand vm4, vm2;
	vm1 =	vmor vm1, vm4  }
0x4e: {  	vm2 =	vmneg vm1;
	v11, _, _ =	vpop (xrf0);
	v12 =	vperm.xlane v6, v8;
	v8 =	vperm.xlane v3, v8  }
0x4f: {  	v4 =	vsel vm3, v10, v4;
	v3 =	vmovc v1;
	(xrf0) =	vadd.scan.msk.s32 $0xffff, v9;
	v6 =	vadd.s32 v7, v11;
	v1 =	vmov v9  }
0x50: {  	s19 =	sshra.s32 s17, $0x2;
	s17 =	smov.u32 s18;
	s18 =	sadd.s32 $0x40, s18;
	vm4 =	vgt.s32 v6, $0x12FB22D;
	v7 =	vperm.xlane v6, v0;
	v5 =	vsel vm3, v12, v5  }
0x51: {  	v9 =	vld [tilespmem:s19+$0x1000];
	_ =	sdelay $0x1  }
0x52: {  	v11 =	vmctz.xlane vm4  }
0x53: {  	v10 =	vmpcnt.ones.xlane vm4  }
0x54: {  	s17 =	sshra.s32 s17, $0x2;
	vm4 =	vlt.s32 v11, $0xF  }
0x55: {  	v2 =	vsel vm3, v8, v2;
	v57 =	vld [tilespmem:s17+$0x1000];
	vm3 =	vgt.s32 v10, $0x0;
	v58 =	vnsel vm4, $0xF, v11;
	v56, _, _ =	vpop (xrf0);
	(xrf0) =	vadd.scan.msk.s32 $0xffff, v9  }
0x56: {  	vm2 =	vmand vm3, vm2;
	vm1 =	vmor vm1, vm3;
	v7 =	vadd.s32 v7, v56  }
0x57: {  	s16 =	sadd.s32 $0x10, s16;
	v6 =	vperm.xlane v6, v58;
	v3 =	vperm.xlane v3, v58;
	vm3 =	vgt.s32 v7, $0x12FB22D  }
0x58: {  	v11 =	vadd.s32 s16, v11;
	v59 =	vmctz.xlane vm3  }
0x59: {  	v4 =	vsel vm2, v11, v4;
	v5 =	vsel vm2, v6, v5;
	v6 =	vmpcnt.ones.xlane vm3  }
0x5a: {  	v60 =	vperm.xlane v7, v0;
	v2 =	vsel vm2, v3, v2;
	(xrf0) =	vadd.scan.msk.s32 $0xffff, v57;
	vm2 =	vlt.s32 v59, $0xF  }
0x5b: {  	s16 =	sadd.s32 $0x10, s16;
	vm3 =	vmneg vm1;
	vm14 =	vgt.s32 v6, $0x0;
	v6 =	vnsel vm2, $0xF, v59;
	v3, _, _ =	vpop (xrf0)  }
0x5c: {  	v8 =	vadd.s32 s16, v59;
	v1 =	vperm.xlane v1, v6;
	v3 =	vadd.s32 v60, v3  }
0x5d: {  	vm2 =	vmand vm14, vm3;
	vm1 =	vmor vm1, vm14;
	vm3 =	vgt.s32 v3, $0x12FB22D  }
0x5e: {  	v7 =	vperm.xlane v7, v6;
	vm4 =	vmneg vm1;
	v6 =	vmpcnt.ones.xlane vm3  }
0x5f: {  	v4 =	vsel vm2, v8, v4;
	v61 =	vperm.xlane v3, v0;
	v62 =	vmctz.xlane vm3  }
0x60: {  	s16 =	sadd.s32 $0x10, s16;
	v5 =	vsel vm2, v7, v5;
	v2 =	vsel vm2, v1, v2;
	v1, _, _ =	vpop (xrf0);
	vm2 =	vgt.s32 v6, $0x0  }
0x61: {  	vm3 =	vlt.s32 v62, $0xF;
	v6 =	vadd.s32 s16, v62;
	v7 =	vadd.s32 v61, v1  }
0x62: {  	v1 =	vnsel vm3, $0xF, v62;
	vm1 =	vmor vm1, vm2;
	vm3 =	vgt.s32 v7, $0x12FB22D  }
0x63: {  	s15 =	sadd.s32 $0x1, s15;
	vm2 =	vmand vm2, vm4;
	vm15 =	vmneg vm1;
	v63 =	vmctz.xlane vm3  }
0x64: {  	p2 =	sne.s32 s15, $0x10;
	v3 =	vperm.xlane v3, v1;
	v9 =	vperm.xlane v9, v1;
	v4 =	vsel vm2, v6, v4  }
.Ltmp8:
0x65: {  	v1 =	vperm.xlane v7, v0;
	v6 =	vmpcnt.ones.xlane vm3;
	vm3 =	vlt.s32 v63, $0xF;
	(pc) =	sbr.rel @p2 .LBB2_9-.Ltmp8, $4  }
0x66: {  	v3 =	vsel vm2, v3, v5;
	v2 =	vsel vm2, v9, v2;
	v5 =	vnsel vm3, $0xF, v63  }
0x67: {  	s16 =	sadd.s32 $0x10, s16;
	vm2 =	vgt.s32 v6, $0x0;
	v6 =	vperm.xlane v7, v5;
	v7 =	vperm.xlane v57, v5  }
0x68: {  	vm3 =	vmand vm2, vm15;
	vm1 =	vmor vm1, vm2;
	v5 =	vadd.s32 s16, v63  }
0x69: {  	s14 =	sadd.s32 $0x1000, s14;
	v4 =	vsel vm3, v5, v4;
	v5 =	vsel vm3, v6, v3;
	v2 =	vsel vm3, v7, v2  }
0x6a: {  	v1 =	vsub.s32 v2, v5  }
0x6b: {  	[tilespmem:$0x2000] =	vst v4;
	v1 =	vadd.s32 $0x12FB22E, v1  }
.Ltmp9:
0x6c: {  	[tilespmem:$0x2010] =	vst v1;
	(pc) =	sbr.rel .LBB2_13-.Ltmp9, $4  }
0x6d: {  	[hbm4b:s5+s2] =	stream.linear.scatter [tilespmem:s12], [sflag:$0x1], $0x20, $0x38;
	[tilespmem:$0x3020] =	vst v63  }
0x6e: {  	_ =	swait.ge [sflag:s11], $0x20  }
0x6f: {  	[sflag:s11] =	ssyncset.done $0x0  }
0x70: {  	[sflag:s11] =	ssyncadd.s32 $0xFFFFFFE0  }
.LBB2_14:
0x71: {  	_ =	sfence.sel $0x180000  }
0x72: {  	[bflag:$0x0] =	sbarrier.arrive $0xFFFF  }
0x73: {  	p0 =	sne.s32 s3, $0x0;
	_ =	strace $0x9000004A  }
0x74: {  	s0 =	sadd.s32 @!p0 $0x100000, s0;
	[bflag:$0x2] =	sbarrier.arrive $0xFFFF  }
0x75: {  	[sflag:s0] =	ssyncadd.tile.s32 @!p0 $0x1;
	_ =	shalt  }
.Lfunc_end2:
_tile_overlayer_lowered:
.L_overlay_start_2:
0x76: {  	(tag) =	ssettag $0x2  }
0x77: {  	s0 =	rddreg [dreg:$0x0];
	s2 =	stileid.u32  }
0x78: {  	s1 =	rddreg [dreg:$0x1];
	p0 =	sne.s32 s2, $0x0  }
0x79: {  	s3 =	rddreg [dreg:$0x2];
	[bflag:$0x3] =	sbarrier.arrive $0xFFFF;
	s2 =	simm.s32 @!p0 $0x1C01  }
0x7a: {  	[timem:s3], [sflag:s2] =	dma.local @!p0 [hbm:s0], s1  }
0x7b: {  	s0 =	simm.s32 @!p0 $0x1  }
0x7c: {  	_ =	swait.ge @!p0 [sflag:s0], s1  }
0x7d: {  	s1 =	ssub.s32 @!p0 $0x0, s1;
	[sflag:s0] =	ssyncset.done @!p0 $0x0  }
0x7e: {  	[sflag:s0] =	ssyncadd.s32 @!p0 s1  }
0x7f: {  	[bflag:$0x3] =	sbarrier.arrive $0xFFFF  }
0x80: {  	_ =	shalt  }

// kernel: kernel.14.cloned.1.call-start
scs
__scs_entry_jumppad:
0x0: {  	(pc) =	sbr.rel $0x88, $3  }
0x1: {  	(tag) =	ssettag $0x0;
	lr =	simm.s32 $0x1  }
0x2: {  	[smem:$0x3F9F] =	sst lr;
	_ =	strace $0xD0000000  }
0x3: {  	_ = 	snop  }
0x4: {  	_ = 	snop  }
0x5: {  	_ = 	snop  }
0x6: {  	_ = 	snop  }
0x7: {  	_ = 	snop  }
__scs_overlays_trampoline_lowered:
0x8: {  	[smem:$0x3FAE] =	sst s0  }
0x9: {  	[smem:$0x3FAF] =	sst s1  }
0xa: {  	[smem:$0x3FB0] =	sst s2  }
0xb: {  	[smem:$0x3FB1] =	sst s3  }
0xc: {  	[smem:$0x3FB2] =	sst s4  }
0xd: {  	[smem:$0x3FB3] =	sst s5  }
0xe: {  	[smem:$0x3FB4] =	sst s6  }
0xf: {  	[smem:$0x3FB5] =	sst s7  }
0x10: {  	[smem:$0x3FB6] =	sst s8  }
0x11: {  	[smem:$0x3FB7] =	sst s9;
	s0 =	simm.s32 @!p0 $0x0  }
0x12: {  	s1 =	sld [smem:$0x3F9D];
	s0 =	simm.s32 @p0 $0x1  }
0x13: {  	[smem:$0x3FB8] =	sst s0;
	s0 =	simm.s32 @!p1 $0x0  }
0x14: {  	s2 =	sld [smem:$0x3F9C];
	s0 =	simm.s32 @p1 $0x1  }
0x15: {  	[smem:$0x3FB9] =	sst s0;
	s0 =	simm.s32 @!p2 $0x0  }
0x16: {  	s3 =	sld [smem:$0x3FDB];
	s0 =	simm.s32 @p2 $0x1  }
0x17: {  	s4 =	simm.s32 $0x1BF5;
	[smem:$0x3FBB] =	sst s0  }
0x18: {  	s0 =	sld [smem:$0x3F9E];
	_ =	swait.ge [sflag:s4], $0x0  }
0x19: {  	s7 =	sld [smem:$0x3F9F]  }
0x1a: {  	s8 =	sadd.s32 $0xFFFFE003, lr  }
0x1b: {  	s9 =	sadd.s32 $0xFFFFFEF7, lr;
	s5 =	simm.s32 $0xFFFFFFFF;
	p2 =	slt.u32 s8, $0xFFFFF086  }
0x1c: {  	p1 =	slt.u32 s9, $0xF7A;
	s5 =	simm.s32 @!p2 $0x0  }
0x1d: {  	s5 =	simm.s32 @p1 $0x1;
	p0 =	seq.s32 s7, s2  }
0x1e: {  	s7 =	smul.u32 @!p0 $0xF7A, s2;
	p2 =	seq.s32 @!p0 s5, $0x0  }
0x1f: {  	s9 =	smul.u32 $0xF7A, s1;
	s8 =	simm.s32 @!p0 $0x1BF5;
	p2 =	por !p2, p0  }
0x20: {  	[sflag:s8] =	ssyncset.s32 @!p0 $0xFFFFF086;
	s6 =	sadd.s32 @!p0 s3, s7;
	s7 =	simm.s32 @!p0 $0x108  }
0x21: {  	s3 =	sadd.s32 s3, s9;
	s6 =	sadd.s32 @!p0 $0x88, s6;
	s7 =	simm.s32 @p2 $0x1082  }
0x22: {  	[simem:s7], [sflag:s8] =	dma.local @!p0 [hbm:s6], $0xF7A  }
0x23: {  	s9 =	sor.u32 $0xD0000000, s2;
	s6 =	simm.s32 $0x108;
	_ =	swait.ge @!p0 [sflag:s8], $0x0  }
0x24: {  	s3 =	sadd.s32 $0x88, s3;
	s6 =	simm.s32 @!p1 $0x1082;
	[sflag:s4] =	ssyncset.s32 $0xFFFFF086  }
0x25: {  	[simem:s6], [sflag:s4] =	dma.local [hbm:s3], $0xF7A  }
0x26: {  	[smem:$0x3F9F] =	sst s1;
	(tag) =	ssettag s2;
	_ =	strace s9  }
0x27: {  	s1 =	sld [smem:$0x3FAF]  }
0x28: {  	s2 =	sld [smem:$0x3FB0]  }
0x29: {  	s4 =	sld [smem:$0x3FB2]  }
0x2a: {  	p0 =	seq.s32 s5, $0x0;
	s5 =	sld [smem:$0x3FB3]  }
0x2b: {  	s6 =	sld [smem:$0x3FB4]  }
0x2c: {  	s7 =	sld [smem:$0x3FB5]  }
0x2d: {  	s3 =	simm.s32 $0x108;
	s8 =	sld [smem:$0x3FB6]  }
0x2e: {  	s3 =	simm.s32 @!p0 $0x1082;
	s9 =	sld [smem:$0x3FB7]  }
0x2f: {  	lr =	sadd.s32 s0, s3;
	s0 =	sld [smem:$0x3FAE]  }
0x30: {  	s3 =	sld [smem:$0x3FB1]  }
0x31: {  	[smem:$0x3FBA] =	sst s10  }
0x32: {  	s10 =	sld [smem:$0x3FB8];
	_ =	sdelay $0x3  }
0x33: {  	p0 =	seq.s32 s10, $0x1;
	s10 =	sld [smem:$0x3FBA];
	_ =	sdelay $0x3  }
0x34: {  	[smem:$0x3FBA] =	sst s10  }
0x35: {  	s10 =	sld [smem:$0x3FB9];
	_ =	sdelay $0x3  }
0x36: {  	p1 =	seq.s32 s10, $0x1;
	s10 =	sld [smem:$0x3FBA];
	_ =	sdelay $0x3  }
0x37: {  	[smem:$0x3FBA] =	sst s10  }
0x38: {  	s10 =	sld [smem:$0x3FBB]  }
0x39: {  	_ = 	snop;
	(pc) =	sbr.ind lr, $3  }
0x3a: {  	_ = 	snop  }
0x3b: {  	_ = 	snop  }
0x3c: {  	p2 =	seq.s32 s10, $0x1;
	s10 =	sld [smem:$0x3FBA]  }
0x3d: {  	_ =	shalt  }
0x3e: {  	_ =	shalt  }
0x3f: {  	_ =	shalt  }
0x40: {  	_ =	shalt  }
0x41: {  	_ =	shalt  }
0x42: {  	_ =	shalt  }
0x43: {  	_ =	shalt  }
0x44: {  	_ =	shalt  }
0x45: {  	_ =	shalt  }
0x46: {  	_ =	shalt  }
0x47: {  	_ =	shalt  }
0x48: {  	_ =	shalt  }
0x49: {  	_ =	shalt  }
0x4a: {  	_ =	shalt  }
0x4b: {  	_ =	shalt  }
0x4c: {  	_ =	shalt  }
0x4d: {  	_ =	shalt  }
0x4e: {  	_ =	shalt  }
0x4f: {  	_ =	shalt  }
0x50: {  	_ =	shalt  }
0x51: {  	_ =	shalt  }
0x52: {  	_ =	shalt  }
0x53: {  	_ =	shalt  }
0x54: {  	_ =	shalt  }
0x55: {  	_ =	shalt  }
0x56: {  	_ =	shalt  }
0x57: {  	_ =	shalt  }
0x58: {  	_ =	shalt  }
0x59: {  	_ =	shalt  }
0x5a: {  	_ =	shalt  }
0x5b: {  	_ =	shalt  }
0x5c: {  	_ =	shalt  }
0x5d: {  	_ =	shalt  }
0x5e: {  	_ =	shalt  }
0x5f: {  	_ =	shalt  }
0x60: {  	_ =	shalt  }
0x61: {  	_ =	shalt  }
0x62: {  	_ =	shalt  }
0x63: {  	_ =	shalt  }
0x64: {  	_ =	shalt  }
0x65: {  	_ =	shalt  }
0x66: {  	_ =	shalt  }
0x67: {  	_ =	shalt  }
0x68: {  	_ =	shalt  }
0x69: {  	_ =	shalt  }
0x6a: {  	_ =	shalt  }
0x6b: {  	_ =	shalt  }
0x6c: {  	_ =	shalt  }
0x6d: {  	_ =	shalt  }
0x6e: {  	_ =	shalt  }
0x6f: {  	_ =	shalt  }
0x70: {  	_ =	shalt  }
0x71: {  	_ =	shalt  }
0x72: {  	_ =	shalt  }
0x73: {  	_ =	shalt  }
0x74: {  	_ =	shalt  }
0x75: {  	_ =	shalt  }
0x76: {  	_ =	shalt  }
0x77: {  	_ =	shalt  }
0x78: {  	_ =	shalt  }
0x79: {  	_ =	shalt  }
0x7a: {  	_ =	shalt  }
0x7b: {  	_ =	shalt  }
0x7c: {  	_ =	shalt  }
0x7d: {  	_ =	shalt  }
0x7e: {  	_ =	shalt  }
0x7f: {  	_ =	shalt  }
0x80: {  	_ =	shalt  }
0x81: {  	_ =	shalt  }
0x82: {  	_ =	shalt  }
0x83: {  	_ =	shalt  }
0x84: {  	_ =	shalt  }
0x85: {  	_ =	shalt  }
0x86: {  	_ =	shalt  }
0x87: {  	_ =	shalt  }
.Lfunc_end0:
.L_simem_size_0:
called_computation.2_lowered:
.L_overlay_start_0:
0x88: {  	s2 =	sld [smem:$0x3FD9]  }
0x89: {  	s3 =	sld [smem:$0x3FFE];
	_ =	sdelay $0x1  }
0x8a: {  	s1 =	srdreg.scid  }
0x8b: {  	s0 =	sand.u32 $0x1, s1  }
0x8c: {  	s16 =	sshll.u32 s0, $0xA;
	s2 =	sadd.s32 s3, s2  }
0x8d: {  	s2 =	sadd.s32 s2, s16  }
0x8e: {  	[smem:$0x3FC6] =	sst s2  }
0x8f: {  	_ = 	snop  }
0x90: {  	(tm) =	ssettm $0x1  }
0x91: {  	s17 =	sld [smem:$0x3FFB];
	_ =	sdelay $0x3  }
0x92: {  	_ =	strace s17  }
0x93: {  	s2 =	sld [smem:$0x3FFC];
	_ =	sdelay $0x3  }
0x94: {  	_ =	strace s2  }
0x95: {  	s2 =	sld [smem:$0x3FFD];
	_ =	sdelay $0x3  }
0x96: {  	_ =	strace s2  }
0x97: {  	_ =	strace $0x8FFFFFFF  }
0x98: {  	s18 =	sld [smem:$0x3FDB];
	_ =	sdelay $0x1  }
0x99: {  	s19 =	simm.s32 $_scs_section_size  }
0x9a: {  	s4 =	simm.s32 $_size__tile_overlayer_lowered;
	s5 =	simm.s32 $_tile_overlayer_lowered  }
0x9b: {  	s22 =	simm.s32 $0x1BFF;
	s21 =	sshll.u32 s5, $0x1;
	s2 =	sadd.s32 s19, s18  }
0x9c: {  	s6 =	simm.s32 $0x0;
	s20 =	sshll.u32 s4, $0x1;
	s4 =	sadd.s32 s21, s2  }
0x9d: {  	[timem:s6], [sflag:s22] =	dma.local [hbm:s4], s20  }
0x9e: {  	_ =	swait.ge [sflag:s22], s20  }
0x9f: {  	s3 =	ssub.s32 $0x0, s20;
	[sflag:s22] =	ssyncset.done $0x0  }
0xa0: {  	[sflag:s22] =	ssyncadd.s32 s3;
	_ =	sdelay $0x1  }
0xa1: {  	s23 =	simm.s32 $0x1B8B  }
0xa2: {  	_ =	swait.ge [sflag:s23], $0x1  }
0xa3: {  	[sflag:s23] =	ssyncset.done $0x0  }
0xa4: {  	s25 =	simm.s32 $0x1B8E;
	s24 =	sld [smem:$0x3FFE];
	[sflag:s23] =	ssyncadd.s32 $0xFFFFFFFF  }
0xa5: {  	s26 =	simm.s32 $execute0_lowered;
	[smem:$0x3FD2] =	sst s25  }
0xa6: {  	s4 =	sshll.u32 s26, $0x1;
	_ =	strace $0x8000004C;
	[dreg:$0x1] =	wrdreg $0xFFFFFFFF  }
0xa7: {  	s28 =	simm.s32 $_size_execute0_lowered;
	s2 =	sadd.s32 s2, s4;
	[dreg:$0x0] =	wrdreg $0x0  }
0xa8: {  	s4 =	sshll.u32 s28, $0x1;
	[dreg:$0x2] =	wrdreg s2  }
0xa9: {  	[dreg:$0x3] =	wrdreg s4  }
0xaa: {  	[dreg:$0x4] =	wrdreg $0xC0  }
0xab: {  	_ =	task [dreg:s6], $0x5FFFF  }
0xac: {  	[dreg:$0x1] =	wrdreg $0xFFFFFFFF  }
0xad: {  	[dreg:$0x0] =	wrdreg $0x60  }
0xae: {  	[dreg:$0x2] =	wrdreg s24  }
0xaf: {  	[dreg:$0x3] =	wrdreg $0x9  }
0xb0: {  	_ =	task.clear_ibuf [dreg:s6], $0x4FFFF;
	_ =	strace $0x9000004C  }
0xb1: {  	s29 =	simm.s32 $0x9;
	_ =	strace $0x8000004E  }
0xb2: {  	_ =	swait.ge [sflag:s29], $0x1  }
0xb3: {  	[sflag:s29] =	ssyncadd.s32 $0xFFFFFFFF  }
0xb4: {  	_ =	strace $0x9000004E  }
0xb5: {  	_ =	sfence  }
0xb6: {  	s30 =	sld [smem:$0x0];
	_ =	sdelay $0x2  }
0xb7: {  	s31 =	sshll.u32 s1, $0xD;
	s1 =	sshrl.u32 s1, $0x2  }
0xb8: {  	s3 =	sand.u32 $0x4000, s31;
	s1 =	sadd.s32 s1, s30  }
0xb9: {  	s0 =	sor.u32 s3, s0;
	s1 =	sshll.u32 s1, $0x11  }
0xba: {  	s0 =	sor.u32 s1, s0  }
0xbb: {  	s0 =	sadd.s32 $0x8F2B, s0  }
0xbc: {  	[sflag:s0] =	ssyncadd.remote.s32 $0x1  }
0xbd: {  	_ =	sfence.sel $0xFFFF  }
0xbe: {  	[dreg:$0x0] =	wrdreg $0xFFFFFFFF;
	(pc) =	sbr.abs _section_cstart, $3  }
0xbf: {  	[dreg:$0x1] =	wrdreg $0xFFFFFFFF  }
0xc0: {  	_ =	task.clear_ibuf [dreg:s6], $0x2FFFF;
	_ =	strace $0x9FFFFFFF  }
0xc1: {  	(tm) =	ssettm $0x7FFFFFFF  }
tec
execute0_lowered:
.L_overlay_start_1:
0x0: {  	(tag) =	ssettag $0x1  }
0x1: {  	s1 =	srdreg.scid  }
0x2: {  	s0 =	stileid.u32;
	s7 =	rddreg [dreg:$0x0]  }
0x3: {  	s2 =	simm.s32 $0x0;
	s11 =	simm.s32 $0x3;
	s12 =	simm.s32 $0x2000  }
0x4: {  	s13 =	simm.s32 $0x1;
	s14 =	simm.s32 $0x4000;
	s15 =	simm.s32 $0x2  }
0x5: {  	s6 =	sand.u32 $0x1, s1;
	s3 =	sshll.u32 s0, $0x1;
	s1 =	rddreg [dreg:$0x1]  }
0x6: {  	s16 =	simm.s32 $0x0;
	[smem:$0x7FF] =	sst s2;
	s8 =	sor.u32 s6, s3  }
0x7: {  	s4 =	sadd.s32 $0xE00, s7;
	s5 =	sadd.s32 $0x2A0E00, s7;
	s3 =	smul.u32 $0x98000, s8  }
0x8: {  	_ =	strace $0x8000004D;
	s9 =	ssub.s32 $0x2, s6;
	s8 =	sshll.u32 s8, $0xD  }
0x9: {  	s10 =	sshrl.u32 s9, $0x1;
	s8 =	sadd.s32 s8, s7;
	s31 =	sshrl.u32 s3, $0x3  }
0xa: {  	s9 =	ssub.s32 s9, s10;
	s10 =	simm.s32 $0x14000;
	s6 =	sadd.s32 s4, s31  }
0xb: {  	v0 =	vimm.s32 $0x0;
	v1 =	vimm.s32 $0x1;
	s8 =	sadd.s32 $0x260E00, s8;
	s9 =	smax.u32 s9, $0x1;
	s7 =	sadd.s32 $0x400, s6  }
.LBB2_1:
0xc: {  	s17 =	simm.s32 $0x40;
	s18 =	simm.s32 $0x0  }
.LBB2_2:
0xd: {  	p0 =	sne.s32 s17, $0x3FFC0;
	[tilespmem:s18+$0x4000] =	vst v0;
	s18 =	smov.u32 s17;
	s17 =	sadd.s32 $0x40, s17  }
.Ltmp0:
0xe: {  	(pc) =	sbr.rel @p0 .LBB2_2-.Ltmp0, $2  }
0xf: {  	_ =	sdelay $0x2  }
0x10: {  	s18 =	sshra.s32 s18, $0x2  }
0x11: {  	[tilespmem:s18+$0x4000] =	vst v0;
	s17 =	simm.s32 $0x0  }
0x12: {  	[tilespmem:s10], [sflag:$0x3] =	stream.linear.gather [hbm4b:s5+s17], $0x10, $0x38;
	[tilespmem:$0x14010] =	vst v63  }
0x13: {  	_ =	swait.ge [sflag:s11], $0x10  }
0x14: {  	[sflag:s11] =	ssyncset.done $0x0  }
0x15: {  	[sflag:s11] =	ssyncadd.s32 $0xFFFFFFF0  }
0x16: {  	v2 =	vld [tilespmem:$0x14000];
	[tilespmem:s17], [sflag:$0x1] =	stream.linear.gather [hbm4b:s6+s17], $0x2000, $0x38  }
0x17: {  	_ = 	snop  }
0x18: {  	[tilespmem:s12], [sflag:$0x2] =	stream.linear.gather [hbm4b:s7+s17], $0x2000, $0x38;
	[tilespmem:$0x14010] =	vst v63  }
.LBB2_4:
0x19: {  	_ =	swait.ge [sflag:s13], $0x2000  }
0x1a: {  	[sflag:s13] =	ssyncset.done $0x0  }
0x1b: {  	s18 =	simm.s32 $0x40;
	[sflag:s13] =	ssyncadd.s32 $0xFFFFE000  }
0x1c: {  	v3 =	vld [tilespmem:s18+$0x30]  }
0x1d: {  	v4 =	vld [tilespmem:s18+$0xFFFFFFD0]  }
0x1e: {  	v5 =	vld [tilespmem:s18+$0xFFFFFFE0]  }
0x1f: {  	v6 =	vld [tilespmem:s18+$0xFFFFFFF0];
	_ =	sdelay $0x1  }
0x20: {  	v7 =	vshrl.u32 v3, $0x10  }
0x21: {  	v8 =	vld [tilespmem:s18+$0x0];
	v9 =	vshrl.u32 v4, $0x10;
	vm1 =	veq.s32 v7, v2  }
0x22: {  	v62 =	vshrl.u32 v5, $0x10;
	v3 =	vand.u32 $0xFFFF, v3;
	v7 =	vld [tilespmem:s18+$0x10];
	vm2 =	veq.s32 v9, v2  }
0x23: {  	v63 =	vld [tilespmem:s18+$0xFFFFFFC0];
	v10 =	vand.u32 $0xFFFF, v4;
	v4 =	vshrl.u32 v6, $0x10;
	vm3 =	veq.s32 v62, v2  }
0x24: {  	v11 =	vld [tilespmem:s18+$0x20];
	v5 =	vand.u32 $0xFFFF, v5;
	vm4 =	veq.s32 v4, v2  }
0x25: {  	v12 =	vand.u32 $0xFFFF, v6  }
0x26: {  	v4 =	vshrl.u32 v8, $0x10  }
0x27: {  	vm0 =	veq.s32 v4, v2;
	v4 =	vshrl.u32 v7, $0x10;
	[tilespmem:v3+s14+$0x0] =	vst.idx.add.s32.msk vm1, v1  }
0x28: {  	v6 =	vand.u32 $0xFFFF, v63;
	v3 =	vand.u32 $0xFFFF, v8;
	vm1 =	veq.s32 v4, v2;
	[tilespmem:v10+s14+$0x0] =	vst.idx.add.s32.msk vm2, v1  }
0x29: {  	v4 =	vand.u32 $0xFFFF, v7;
	v7 =	vshrl.u32 v11, $0x10;
	v8 =	vshrl.u32 v63, $0x10;
	[tilespmem:v5+s14+$0x0] =	vst.idx.add.s32.msk vm3, v1  }
0x2a: {  	s19 =	simm.s32 $0xC0;
	s18 =	simm.s32 $0x0;
	v5 =	vand.u32 $0xFFFF, v11;
	[tilespmem:v12+s14+$0x0] =	vst.idx.add.s32.msk vm4, v1;
	vm2 =	veq.s32 v7, v2;
	vm3 =	veq.s32 v8, v2  }
.LBB2_5:
0x2b: {  	v7 =	vld [tilespmem:s19+$0x30];
	s18 =	sadd.s32 $0x8, s18  }
0x2c: {  	v8 =	vld [tilespmem:s19+$0xFFFFFFD0];
	p0 =	slt.u32 s18, $0x1F8  }
0x2d: {  	v9 =	vld [tilespmem:s19+$0xFFFFFFE0]  }
0x2e: {  	v10 =	vld [tilespmem:s19+$0xFFFFFFF0]  }
0x2f: {  	v11 =	vld [tilespmem:s19+$0x0]  }
0x30: {  	v12 =	vld [tilespmem:s19+$0x10];
	v13 =	vshrl.u32 v7, $0x10  }
0x31: {  	v14 =	vshrl.u32 v8, $0x10;
	v8 =	vand.u32 $0xFFFF, v8;
	v15 =	vld [tilespmem:s19+$0x20];
	vm4 =	veq.s32 v13, v2  }
0x32: {  	v7 =	vand.u32 $0xFFFF, v7;
	v13 =	vld [tilespmem:s19+$0xFFFFFFC0];
	vm5 =	veq.s32 v14, v2;
	v14 =	vshrl.u32 v9, $0x10  }
0x33: {  	v9 =	vand.u32 $0xFFFF, v9;
	vm6 =	veq.s32 v14, v2;
	v14 =	vshrl.u32 v10, $0x10;
	[tilespmem:v6+s14+$0x0] =	vst.idx.add.s32.msk vm3, v1  }
0x34: {  	v10 =	vand.u32 $0xFFFF, v10;
	vm7 =	veq.s32 v14, v2;
	v6 =	vshrl.u32 v11, $0x10;
	[tilespmem:v3+s14+$0x0] =	vst.idx.add.s32.msk vm0, v1  }
0x35: {  	v3 =	vand.u32 $0xFFFF, v11;
	vm0 =	veq.s32 v6, v2;
	v6 =	vshrl.u32 v12, $0x10;
	[tilespmem:v4+s14+$0x0] =	vst.idx.add.s32.msk vm1, v1  }
.Ltmp1:
0x36: {  	v4 =	vand.u32 $0xFFFF, v12;
	vm1 =	veq.s32 v6, v2;
	v11 =	vshrl.u32 v15, $0x10;
	[tilespmem:v5+s14+$0x0] =	vst.idx.add.s32.msk vm2, v1;
	(pc) =	sbr.rel @p0 .LBB2_5-.Ltmp1, $4  }
0x37: {  	v5 =	vshrl.u32 v13, $0x10;
	v6 =	vand.u32 $0xFFFF, v13;
	vm2 =	veq.s32 v11, v2;
	[tilespmem:v7+s14+$0x0] =	vst.idx.add.s32.msk vm4, v1  }
0x38: {  	vm3 =	veq.s32 v5, v2;
	[tilespmem:v8+s14+$0x0] =	vst.idx.add.s32.msk vm5, v1;
	v5 =	vand.u32 $0xFFFF, v15  }
0x39: {  	[tilespmem:v9+s14+$0x0] =	vst.idx.add.s32.msk vm6, v1  }
0x3a: {  	s19 =	sadd.s32 $0x80, s19;
	[tilespmem:v10+s14+$0x0] =	vst.idx.add.s32.msk vm7, v1  }
0x3b: {  	_ =	sdelay $0x3  }
0x3c: {  	s18 =	sshll.u32 s17, $0xE  }
0x3d: {  	[tilespmem:v6+s14+$0x0] =	vst.idx.add.s32.msk vm3, v1;
	s18 =	sadd.s32 s3, s18  }
0x3e: {  	[tilespmem:v3+s14+$0x0] =	vst.idx.add.s32.msk vm0, v1;
	s18 =	sshrl.u32 s18, $0x3  }
0x3f: {  	[tilespmem:v4+s14+$0x0] =	vst.idx.add.s32.msk vm1, v1;
	s18 =	sadd.s32 s4, s18  }
0x40: {  	[tilespmem:v5+s14+$0x0] =	vst.idx.add.s32.msk vm2, v1;
	s19 =	sadd.s32 $0x800, s18  }
0x41: {  	[tilespmem:s2], [sflag:$0x1] =	stream.linear.gather [hbm4b:s19+s2], $0x2000, $0x38;
	[tilespmem:$0x14010] =	vst v63  }
0x42: {  	_ =	swait.ge [sflag:s15], $0x2000  }
0x43: {  	[sflag:s15] =	ssyncset.done $0x0  }
0x44: {  	s31 =	simm.s32 $0x2040;
	[sflag:s15] =	ssyncadd.s32 $0xFFFFE000  }
0x45: {  	v3 =	vld [tilespmem:s31+$0x30]  }
0x46: {  	v4 =	vld [tilespmem:s31+$0xFFFFFFD0]  }
0x47: {  	v5 =	vld [tilespmem:s31+$0xFFFFFFE0]  }
0x48: {  	v6 =	vld [tilespmem:s31+$0xFFFFFFF0];
	_ =	sdelay $0x1  }
0x49: {  	v7 =	vshrl.u32 v3, $0x10  }
0x4a: {  	v8 =	vld [tilespmem:s31+$0x0];
	v9 =	vshrl.u32 v4, $0x10;
	vm1 =	veq.s32 v7, v2  }
0x4b: {  	v62 =	vshrl.u32 v5, $0x10;
	v3 =	vand.u32 $0xFFFF, v3;
	v7 =	vld [tilespmem:s31+$0x10];
	vm2 =	veq.s32 v9, v2  }
0x4c: {  	v63 =	vld [tilespmem:s31+$0xFFFFFFC0];
	v10 =	vand.u32 $0xFFFF, v4;
	v4 =	vshrl.u32 v6, $0x10;
	vm3 =	veq.s32 v62, v2  }
0x4d: {  	v11 =	vld [tilespmem:s31+$0x20];
	v5 =	vand.u32 $0xFFFF, v5;
	vm4 =	veq.s32 v4, v2  }
0x4e: {  	v12 =	vand.u32 $0xFFFF, v6  }
0x4f: {  	v4 =	vshrl.u32 v8, $0x10  }
0x50: {  	vm0 =	veq.s32 v4, v2;
	v4 =	vshrl.u32 v7, $0x10;
	[tilespmem:v3+s14+$0x0] =	vst.idx.add.s32.msk vm1, v1  }
0x51: {  	v6 =	vand.u32 $0xFFFF, v63;
	v3 =	vand.u32 $0xFFFF, v8;
	vm1 =	veq.s32 v4, v2;
	[tilespmem:v10+s14+$0x0] =	vst.idx.add.s32.msk vm2, v1  }
0x52: {  	v4 =	vand.u32 $0xFFFF, v7;
	v7 =	vshrl.u32 v11, $0x10;
	v8 =	vshrl.u32 v63, $0x10;
	[tilespmem:v5+s14+$0x0] =	vst.idx.add.s32.msk vm3, v1  }
0x53: {  	s20 =	simm.s32 $0x20C0;
	s19 =	simm.s32 $0x0;
	v5 =	vand.u32 $0xFFFF, v11;
	[tilespmem:v12+s14+$0x0] =	vst.idx.add.s32.msk vm4, v1;
	vm2 =	veq.s32 v7, v2;
	vm3 =	veq.s32 v8, v2  }
.LBB2_7:
0x54: {  	v7 =	vld [tilespmem:s20+$0x30];
	s19 =	sadd.s32 $0x8, s19  }
0x55: {  	v8 =	vld [tilespmem:s20+$0xFFFFFFD0];
	p0 =	slt.u32 s19, $0x1F8  }
0x56: {  	v9 =	vld [tilespmem:s20+$0xFFFFFFE0]  }
0x57: {  	v10 =	vld [tilespmem:s20+$0xFFFFFFF0]  }
0x58: {  	v11 =	vld [tilespmem:s20+$0x0]  }
0x59: {  	v12 =	vld [tilespmem:s20+$0x10];
	v13 =	vshrl.u32 v7, $0x10  }
0x5a: {  	v14 =	vshrl.u32 v8, $0x10;
	v8 =	vand.u32 $0xFFFF, v8;
	v15 =	vld [tilespmem:s20+$0x20];
	vm4 =	veq.s32 v13, v2  }
0x5b: {  	v7 =	vand.u32 $0xFFFF, v7;
	v13 =	vld [tilespmem:s20+$0xFFFFFFC0];
	vm5 =	veq.s32 v14, v2;
	v14 =	vshrl.u32 v9, $0x10  }
0x5c: {  	v9 =	vand.u32 $0xFFFF, v9;
	vm6 =	veq.s32 v14, v2;
	v14 =	vshrl.u32 v10, $0x10;
	[tilespmem:v6+s14+$0x0] =	vst.idx.add.s32.msk vm3, v1  }
0x5d: {  	v10 =	vand.u32 $0xFFFF, v10;
	vm7 =	veq.s32 v14, v2;
	v6 =	vshrl.u32 v11, $0x10;
	[tilespmem:v3+s14+$0x0] =	vst.idx.add.s32.msk vm0, v1  }
0x5e: {  	v3 =	vand.u32 $0xFFFF, v11;
	vm0 =	veq.s32 v6, v2;
	v6 =	vshrl.u32 v12, $0x10;
	[tilespmem:v4+s14+$0x0] =	vst.idx.add.s32.msk vm1, v1  }
.Ltmp2:
0x5f: {  	v4 =	vand.u32 $0xFFFF, v12;
	vm1 =	veq.s32 v6, v2;
	v11 =	vshrl.u32 v15, $0x10;
	[tilespmem:v5+s14+$0x0] =	vst.idx.add.s32.msk vm2, v1;
	(pc) =	sbr.rel @p0 .LBB2_7-.Ltmp2, $4  }
0x60: {  	v5 =	vshrl.u32 v13, $0x10;
	v6 =	vand.u32 $0xFFFF, v13;
	vm2 =	veq.s32 v11, v2;
	[tilespmem:v7+s14+$0x0] =	vst.idx.add.s32.msk vm4, v1  }
0x61: {  	vm3 =	veq.s32 v5, v2;
	[tilespmem:v8+s14+$0x0] =	vst.idx.add.s32.msk vm5, v1;
	v5 =	vand.u32 $0xFFFF, v15  }
0x62: {  	[tilespmem:v9+s14+$0x0] =	vst.idx.add.s32.msk vm6, v1  }
0x63: {  	s20 =	sadd.s32 $0x80, s20;
	[tilespmem:v10+s14+$0x0] =	vst.idx.add.s32.msk vm7, v1  }
0x64: {  	_ =	sdelay $0x2  }
0x65: {  	s17 =	sadd.s32 $0x1, s17  }
0x66: {  	p0 =	sne.s32 s17, $0x25  }
.Ltmp3:
0x67: {  	[tilespmem:v6+s14+$0x0] =	vst.idx.add.s32.msk vm3, v1;
	(pc) =	sbr.rel @p0 .LBB2_4-.Ltmp3, $4  }
0x68: {  	[tilespmem:v3+s14+$0x0] =	vst.idx.add.s32.msk vm0, v1  }
0x69: {  	[tilespmem:v4+s14+$0x0] =	vst.idx.add.s32.msk vm1, v1  }
0x6a: {  	[tilespmem:v5+s14+$0x0] =	vst.idx.add.s32.msk vm2, v1;
	s18 =	sadd.s32 $0xC00, s18  }
0x6b: {  	[tilespmem:s12], [sflag:$0x2] =	stream.linear.gather [hbm4b:s18+s2], $0x2000, $0x38;
	[tilespmem:$0x14010] =	vst v63  }
0x6c: {  	_ =	swait.ge [sflag:s13], $0x2000  }
0x6d: {  	[sflag:s13] =	ssyncset.done $0x0  }
0x6e: {  	s17 =	simm.s32 $0x40;
	[sflag:s13] =	ssyncadd.s32 $0xFFFFE000  }
0x6f: {  	v3 =	vld [tilespmem:s17+$0x30]  }
0x70: {  	v4 =	vld [tilespmem:s17+$0xFFFFFFD0]  }
0x71: {  	v5 =	vld [tilespmem:s17+$0xFFFFFFE0]  }
0x72: {  	v6 =	vld [tilespmem:s17+$0xFFFFFFF0];
	_ =	sdelay $0x1  }
0x73: {  	v7 =	vshrl.u32 v3, $0x10  }
0x74: {  	v8 =	vld [tilespmem:s17+$0x0];
	v9 =	vshrl.u32 v4, $0x10;
	vm1 =	veq.s32 v7, v2  }
0x75: {  	v62 =	vshrl.u32 v5, $0x10;
	v3 =	vand.u32 $0xFFFF, v3;
	v7 =	vld [tilespmem:s17+$0x10];
	vm2 =	veq.s32 v9, v2  }
0x76: {  	v63 =	vld [tilespmem:s17+$0xFFFFFFC0];
	v10 =	vand.u32 $0xFFFF, v4;
	v4 =	vshrl.u32 v6, $0x10;
	vm3 =	veq.s32 v62, v2  }
0x77: {  	v11 =	vld [tilespmem:s17+$0x20];
	v5 =	vand.u32 $0xFFFF, v5;
	vm4 =	veq.s32 v4, v2  }
0x78: {  	v12 =	vand.u32 $0xFFFF, v6  }
0x79: {  	v4 =	vshrl.u32 v8, $0x10  }
0x7a: {  	vm0 =	veq.s32 v4, v2;
	v4 =	vshrl.u32 v7, $0x10;
	[tilespmem:v3+s14+$0x0] =	vst.idx.add.s32.msk vm1, v1  }
0x7b: {  	v6 =	vand.u32 $0xFFFF, v63;
	v3 =	vand.u32 $0xFFFF, v8;
	vm1 =	veq.s32 v4, v2;
	[tilespmem:v10+s14+$0x0] =	vst.idx.add.s32.msk vm2, v1  }
0x7c: {  	v4 =	vand.u32 $0xFFFF, v7;
	v7 =	vshrl.u32 v11, $0x10;
	v8 =	vshrl.u32 v63, $0x10;
	[tilespmem:v5+s14+$0x0] =	vst.idx.add.s32.msk vm3, v1  }
0x7d: {  	s18 =	simm.s32 $0xC0;
	s17 =	simm.s32 $0x0;
	v5 =	vand.u32 $0xFFFF, v11;
	[tilespmem:v12+s14+$0x0] =	vst.idx.add.s32.msk vm4, v1;
	vm2 =	veq.s32 v7, v2;
	vm3 =	veq.s32 v8, v2  }
.LBB2_10:
0x7e: {  	v7 =	vld [tilespmem:s18+$0x30];
	s17 =	sadd.s32 $0x8, s17  }
0x7f: {  	v8 =	vld [tilespmem:s18+$0xFFFFFFD0];
	p0 =	slt.u32 s17, $0x1F8  }
0x80: {  	v9 =	vld [tilespmem:s18+$0xFFFFFFE0]  }
0x81: {  	v10 =	vld [tilespmem:s18+$0xFFFFFFF0]  }
0x82: {  	v11 =	vld [tilespmem:s18+$0x0]  }
0x83: {  	v12 =	vld [tilespmem:s18+$0x10];
	v13 =	vshrl.u32 v7, $0x10  }
0x84: {  	v14 =	vshrl.u32 v8, $0x10;
	v8 =	vand.u32 $0xFFFF, v8;
	v15 =	vld [tilespmem:s18+$0x20];
	vm4 =	veq.s32 v13, v2  }
0x85: {  	v7 =	vand.u32 $0xFFFF, v7;
	v13 =	vld [tilespmem:s18+$0xFFFFFFC0];
	vm5 =	veq.s32 v14, v2;
	v14 =	vshrl.u32 v9, $0x10  }
0x86: {  	v9 =	vand.u32 $0xFFFF, v9;
	vm6 =	veq.s32 v14, v2;
	v14 =	vshrl.u32 v10, $0x10;
	[tilespmem:v6+s14+$0x0] =	vst.idx.add.s32.msk vm3, v1  }
0x87: {  	v10 =	vand.u32 $0xFFFF, v10;
	vm7 =	veq.s32 v14, v2;
	v6 =	vshrl.u32 v11, $0x10;
	[tilespmem:v3+s14+$0x0] =	vst.idx.add.s32.msk vm0, v1  }
0x88: {  	v3 =	vand.u32 $0xFFFF, v11;
	vm0 =	veq.s32 v6, v2;
	v6 =	vshrl.u32 v12, $0x10;
	[tilespmem:v4+s14+$0x0] =	vst.idx.add.s32.msk vm1, v1  }
.Ltmp4:
0x89: {  	v4 =	vand.u32 $0xFFFF, v12;
	vm1 =	veq.s32 v6, v2;
	v11 =	vshrl.u32 v15, $0x10;
	[tilespmem:v5+s14+$0x0] =	vst.idx.add.s32.msk vm2, v1;
	(pc) =	sbr.rel @p0 .LBB2_10-.Ltmp4, $4  }
0x8a: {  	v5 =	vshrl.u32 v13, $0x10;
	v6 =	vand.u32 $0xFFFF, v13;
	vm2 =	veq.s32 v11, v2;
	[tilespmem:v7+s14+$0x0] =	vst.idx.add.s32.msk vm4, v1  }
0x8b: {  	vm3 =	veq.s32 v5, v2;
	[tilespmem:v8+s14+$0x0] =	vst.idx.add.s32.msk vm5, v1;
	v5 =	vand.u32 $0xFFFF, v15  }
0x8c: {  	[tilespmem:v9+s14+$0x0] =	vst.idx.add.s32.msk vm6, v1  }
0x8d: {  	s18 =	sadd.s32 $0x80, s18;
	[tilespmem:v10+s14+$0x0] =	vst.idx.add.s32.msk vm7, v1  }
0x8e: {  	_ =	sdelay $0x4  }
0x8f: {  	[tilespmem:v6+s14+$0x0] =	vst.idx.add.s32.msk vm3, v1  }
0x90: {  	[tilespmem:v3+s14+$0x0] =	vst.idx.add.s32.msk vm0, v1  }
0x91: {  	[tilespmem:v4+s14+$0x0] =	vst.idx.add.s32.msk vm1, v1  }
0x92: {  	[tilespmem:v5+s14+$0x0] =	vst.idx.add.s32.msk vm2, v1  }
0x93: {  	_ =	swait.ge [sflag:s15], $0x2000  }
0x94: {  	[sflag:s15] =	ssyncset.done $0x0  }
0x95: {  	s17 =	simm.s32 $0x2040;
	[sflag:s15] =	ssyncadd.s32 $0xFFFFE000  }
0x96: {  	v3 =	vld [tilespmem:s17+$0x30]  }
0x97: {  	v4 =	vld [tilespmem:s17+$0xFFFFFFD0]  }
0x98: {  	v5 =	vld [tilespmem:s17+$0xFFFFFFE0]  }
0x99: {  	v6 =	vld [tilespmem:s17+$0xFFFFFFF0];
	_ =	sdelay $0x1  }
0x9a: {  	v7 =	vshrl.u32 v3, $0x10  }
0x9b: {  	v8 =	vld [tilespmem:s17+$0x0];
	v9 =	vshrl.u32 v4, $0x10;
	vm1 =	veq.s32 v7, v2  }
0x9c: {  	v62 =	vshrl.u32 v5, $0x10;
	v3 =	vand.u32 $0xFFFF, v3;
	v7 =	vld [tilespmem:s17+$0x10];
	vm2 =	veq.s32 v9, v2  }
0x9d: {  	v63 =	vld [tilespmem:s17+$0xFFFFFFC0];
	v10 =	vand.u32 $0xFFFF, v4;
	v4 =	vshrl.u32 v6, $0x10;
	vm3 =	veq.s32 v62, v2  }
0x9e: {  	v11 =	vld [tilespmem:s17+$0x20];
	v5 =	vand.u32 $0xFFFF, v5;
	vm4 =	veq.s32 v4, v2  }
0x9f: {  	v12 =	vand.u32 $0xFFFF, v6  }
0xa0: {  	v4 =	vshrl.u32 v8, $0x10  }
0xa1: {  	vm0 =	veq.s32 v4, v2;
	v4 =	vshrl.u32 v7, $0x10;
	[tilespmem:v3+s14+$0x0] =	vst.idx.add.s32.msk vm1, v1  }
0xa2: {  	v6 =	vand.u32 $0xFFFF, v63;
	v3 =	vand.u32 $0xFFFF, v8;
	vm1 =	veq.s32 v4, v2;
	[tilespmem:v10+s14+$0x0] =	vst.idx.add.s32.msk vm2, v1  }
0xa3: {  	v4 =	vand.u32 $0xFFFF, v7;
	v7 =	vshrl.u32 v11, $0x10;
	v8 =	vshrl.u32 v63, $0x10;
	[tilespmem:v5+s14+$0x0] =	vst.idx.add.s32.msk vm3, v1  }
0xa4: {  	s18 =	simm.s32 $0x20C0;
	s17 =	simm.s32 $0x0;
	v5 =	vand.u32 $0xFFFF, v11;
	[tilespmem:v12+s14+$0x0] =	vst.idx.add.s32.msk vm4, v1;
	vm2 =	veq.s32 v7, v2;
	vm3 =	veq.s32 v8, v2  }
.LBB2_12:
0xa5: {  	v7 =	vld [tilespmem:s18+$0x30];
	s17 =	sadd.s32 $0x8, s17  }
0xa6: {  	v8 =	vld [tilespmem:s18+$0xFFFFFFD0];
	p0 =	slt.u32 s17, $0x1F8  }
0xa7: {  	v9 =	vld [tilespmem:s18+$0xFFFFFFE0]  }
0xa8: {  	v10 =	vld [tilespmem:s18+$0xFFFFFFF0]  }
0xa9: {  	v11 =	vld [tilespmem:s18+$0x0]  }
0xaa: {  	v12 =	vld [tilespmem:s18+$0x10];
	v13 =	vshrl.u32 v7, $0x10  }
0xab: {  	v14 =	vshrl.u32 v8, $0x10;
	v8 =	vand.u32 $0xFFFF, v8;
	v15 =	vld [tilespmem:s18+$0x20];
	vm4 =	veq.s32 v13, v2  }
0xac: {  	v7 =	vand.u32 $0xFFFF, v7;
	v13 =	vld [tilespmem:s18+$0xFFFFFFC0];
	vm5 =	veq.s32 v14, v2;
	v14 =	vshrl.u32 v9, $0x10  }
0xad: {  	v9 =	vand.u32 $0xFFFF, v9;
	vm6 =	veq.s32 v14, v2;
	v14 =	vshrl.u32 v10, $0x10;
	[tilespmem:v6+s14+$0x0] =	vst.idx.add.s32.msk vm3, v1  }
0xae: {  	v10 =	vand.u32 $0xFFFF, v10;
	vm7 =	veq.s32 v14, v2;
	v6 =	vshrl.u32 v11, $0x10;
	[tilespmem:v3+s14+$0x0] =	vst.idx.add.s32.msk vm0, v1  }
0xaf: {  	v3 =	vand.u32 $0xFFFF, v11;
	vm0 =	veq.s32 v6, v2;
	v6 =	vshrl.u32 v12, $0x10;
	[tilespmem:v4+s14+$0x0] =	vst.idx.add.s32.msk vm1, v1  }
.Ltmp5:
0xb0: {  	v4 =	vand.u32 $0xFFFF, v12;
	vm1 =	veq.s32 v6, v2;
	v11 =	vshrl.u32 v15, $0x10;
	[tilespmem:v5+s14+$0x0] =	vst.idx.add.s32.msk vm2, v1;
	(pc) =	sbr.rel @p0 .LBB2_12-.Ltmp5, $4  }
0xb1: {  	v5 =	vshrl.u32 v13, $0x10;
	v6 =	vand.u32 $0xFFFF, v13;
	vm2 =	veq.s32 v11, v2;
	[tilespmem:v7+s14+$0x0] =	vst.idx.add.s32.msk vm4, v1  }
0xb2: {  	vm3 =	veq.s32 v5, v2;
	[tilespmem:v8+s14+$0x0] =	vst.idx.add.s32.msk vm5, v1;
	v5 =	vand.u32 $0xFFFF, v15  }
0xb3: {  	[tilespmem:v9+s14+$0x0] =	vst.idx.add.s32.msk vm6, v1  }
0xb4: {  	s18 =	sadd.s32 $0x80, s18;
	[tilespmem:v10+s14+$0x0] =	vst.idx.add.s32.msk vm7, v1  }
0xb5: {  	_ =	sdelay $0x4  }
0xb6: {  	[tilespmem:v6+s14+$0x0] =	vst.idx.add.s32.msk vm3, v1  }
0xb7: {  	[tilespmem:v3+s14+$0x0] =	vst.idx.add.s32.msk vm0, v1;
	s16 =	sadd.s32 $0x1, s16  }
0xb8: {  	[tilespmem:v4+s14+$0x0] =	vst.idx.add.s32.msk vm1, v1;
	p0 =	sne.s32 s16, s9  }
.Ltmp6:
0xb9: {  	[tilespmem:v5+s14+$0x0] =	vst.idx.add.s32.msk vm2, v1;
	(pc) =	sbr.rel @p0 .LBB2_1-.Ltmp6, $4  }
0xba: {  	[hbm4b:s8+s2] =	stream.linear.scatter [tilespmem:s14], [sflag:$0x3], $0x10000, $0x38;
	[tilespmem:$0x14010] =	vst v63  }
0xbb: {  	_ =	swait.ge [sflag:s11], $0x10000  }
0xbc: {  	[sflag:s11] =	ssyncset.done $0x0  }
0xbd: {  	[sflag:s11] =	ssyncadd.s32 $0xFFFF0000  }
0xbe: {  	_ =	sfence.sel $0x180000  }
0xbf: {  	[bflag:$0x0] =	sbarrier.arrive $0xFFFF  }
0xc0: {  	p0 =	sne.s32 s0, $0x0;
	_ =	strace $0x9000004D  }
0xc1: {  	s0 =	sadd.s32 @!p0 $0x100000, s1;
	[bflag:$0x2] =	sbarrier.arrive $0xFFFF  }
0xc2: {  	[sflag:s0] =	ssyncadd.tile.s32 @!p0 $0x1;
	_ =	shalt  }
.Lfunc_end2:
_tile_overlayer_lowered:
.L_overlay_start_2:
0xc3: {  	(tag) =	ssettag $0x2  }
0xc4: {  	s0 =	rddreg [dreg:$0x0];
	s2 =	stileid.u32  }
0xc5: {  	s1 =	rddreg [dreg:$0x1];
	p0 =	sne.s32 s2, $0x0  }
0xc6: {  	s3 =	rddreg [dreg:$0x2];
	[bflag:$0x3] =	sbarrier.arrive $0xFFFF;
	s2 =	simm.s32 @!p0 $0x1C03  }
0xc7: {  	[timem:s3], [sflag:s2] =	dma.local @!p0 [hbm:s0], s1  }
0xc8: {  	s0 =	simm.s32 @!p0 $0x3  }
0xc9: {  	_ =	swait.ge @!p0 [sflag:s0], s1  }
0xca: {  	s1 =	ssub.s32 @!p0 $0x0, s1;
	[sflag:s0] =	ssyncset.done @!p0 $0x0  }
0xcb: {  	[sflag:s0] =	ssyncadd.s32 @!p0 s1  }
0xcc: {  	[bflag:$0x3] =	sbarrier.arrive $0xFFFF  }
0xcd: {  	_ =	shalt  }

// kernel: kernel.17.cloned.1.call-start
scs
__scs_entry_jumppad:
0x0: {  	(pc) =	sbr.rel $0x88, $3  }
0x1: {  	(tag) =	ssettag $0x0;
	lr =	simm.s32 $0x1  }
0x2: {  	[smem:$0x3F9F] =	sst lr;
	_ =	strace $0xD0000000  }
0x3: {  	_ = 	snop  }
0x4: {  	_ = 	snop  }
0x5: {  	_ = 	snop  }
0x6: {  	_ = 	snop  }
0x7: {  	_ = 	snop  }
__scs_overlays_trampoline_lowered:
0x8: {  	[smem:$0x3FAE] =	sst s0  }
0x9: {  	[smem:$0x3FAF] =	sst s1  }
0xa: {  	[smem:$0x3FB0] =	sst s2  }
0xb: {  	[smem:$0x3FB1] =	sst s3  }
0xc: {  	[smem:$0x3FB2] =	sst s4  }
0xd: {  	[smem:$0x3FB3] =	sst s5  }
0xe: {  	[smem:$0x3FB4] =	sst s6  }
0xf: {  	[smem:$0x3FB5] =	sst s7  }
0x10: {  	[smem:$0x3FB6] =	sst s8  }
0x11: {  	[smem:$0x3FB7] =	sst s9;
	s0 =	simm.s32 @!p0 $0x0  }
0x12: {  	s1 =	sld [smem:$0x3F9D];
	s0 =	simm.s32 @p0 $0x1  }
0x13: {  	[smem:$0x3FB8] =	sst s0;
	s0 =	simm.s32 @!p1 $0x0  }
0x14: {  	s2 =	sld [smem:$0x3F9C];
	s0 =	simm.s32 @p1 $0x1  }
0x15: {  	[smem:$0x3FB9] =	sst s0;
	s0 =	simm.s32 @!p2 $0x0  }
0x16: {  	s3 =	sld [smem:$0x3FDB];
	s0 =	simm.s32 @p2 $0x1  }
0x17: {  	s4 =	simm.s32 $0x1BF5;
	[smem:$0x3FBB] =	sst s0  }
0x18: {  	s0 =	sld [smem:$0x3F9E];
	_ =	swait.ge [sflag:s4], $0x0  }
0x19: {  	s7 =	sld [smem:$0x3F9F]  }
0x1a: {  	s8 =	sadd.s32 $0xFFFFE003, lr  }
0x1b: {  	s9 =	sadd.s32 $0xFFFFFEF7, lr;
	s5 =	simm.s32 $0xFFFFFFFF;
	p2 =	slt.u32 s8, $0xFFFFF086  }
0x1c: {  	p1 =	slt.u32 s9, $0xF7A;
	s5 =	simm.s32 @!p2 $0x0  }
0x1d: {  	s5 =	simm.s32 @p1 $0x1;
	p0 =	seq.s32 s7, s2  }
0x1e: {  	s7 =	smul.u32 @!p0 $0xF7A, s2;
	p2 =	seq.s32 @!p0 s5, $0x0  }
0x1f: {  	s9 =	smul.u32 $0xF7A, s1;
	s8 =	simm.s32 @!p0 $0x1BF5;
	p2 =	por !p2, p0  }
0x20: {  	[sflag:s8] =	ssyncset.s32 @!p0 $0xFFFFF086;
	s6 =	sadd.s32 @!p0 s3, s7;
	s7 =	simm.s32 @!p0 $0x108  }
0x21: {  	s3 =	sadd.s32 s3, s9;
	s6 =	sadd.s32 @!p0 $0x88, s6;
	s7 =	simm.s32 @p2 $0x1082  }
0x22: {  	[simem:s7], [sflag:s8] =	dma.local @!p0 [hbm:s6], $0xF7A  }
0x23: {  	s9 =	sor.u32 $0xD0000000, s2;
	s6 =	simm.s32 $0x108;
	_ =	swait.ge @!p0 [sflag:s8], $0x0  }
0x24: {  	s3 =	sadd.s32 $0x88, s3;
	s6 =	simm.s32 @!p1 $0x1082;
	[sflag:s4] =	ssyncset.s32 $0xFFFFF086  }
0x25: {  	[simem:s6], [sflag:s4] =	dma.local [hbm:s3], $0xF7A  }
0x26: {  	[smem:$0x3F9F] =	sst s1;
	(tag) =	ssettag s2;
	_ =	strace s9  }
0x27: {  	s1 =	sld [smem:$0x3FAF]  }
0x28: {  	s2 =	sld [smem:$0x3FB0]  }
0x29: {  	s4 =	sld [smem:$0x3FB2]  }
0x2a: {  	p0 =	seq.s32 s5, $0x0;
	s5 =	sld [smem:$0x3FB3]  }
0x2b: {  	s6 =	sld [smem:$0x3FB4]  }
0x2c: {  	s7 =	sld [smem:$0x3FB5]  }
0x2d: {  	s3 =	simm.s32 $0x108;
	s8 =	sld [smem:$0x3FB6]  }
0x2e: {  	s3 =	simm.s32 @!p0 $0x1082;
	s9 =	sld [smem:$0x3FB7]  }
0x2f: {  	lr =	sadd.s32 s0, s3;
	s0 =	sld [smem:$0x3FAE]  }
0x30: {  	s3 =	sld [smem:$0x3FB1]  }
0x31: {  	[smem:$0x3FBA] =	sst s10  }
0x32: {  	s10 =	sld [smem:$0x3FB8];
	_ =	sdelay $0x3  }
0x33: {  	p0 =	seq.s32 s10, $0x1;
	s10 =	sld [smem:$0x3FBA];
	_ =	sdelay $0x3  }
0x34: {  	[smem:$0x3FBA] =	sst s10  }
0x35: {  	s10 =	sld [smem:$0x3FB9];
	_ =	sdelay $0x3  }
0x36: {  	p1 =	seq.s32 s10, $0x1;
	s10 =	sld [smem:$0x3FBA];
	_ =	sdelay $0x3  }
0x37: {  	[smem:$0x3FBA] =	sst s10  }
0x38: {  	s10 =	sld [smem:$0x3FBB]  }
0x39: {  	_ = 	snop;
	(pc) =	sbr.ind lr, $3  }
0x3a: {  	_ = 	snop  }
0x3b: {  	_ = 	snop  }
0x3c: {  	p2 =	seq.s32 s10, $0x1;
	s10 =	sld [smem:$0x3FBA]  }
0x3d: {  	_ =	shalt  }
0x3e: {  	_ =	shalt  }
0x3f: {  	_ =	shalt  }
0x40: {  	_ =	shalt  }
0x41: {  	_ =	shalt  }
0x42: {  	_ =	shalt  }
0x43: {  	_ =	shalt  }
0x44: {  	_ =	shalt  }
0x45: {  	_ =	shalt  }
0x46: {  	_ =	shalt  }
0x47: {  	_ =	shalt  }
0x48: {  	_ =	shalt  }
0x49: {  	_ =	shalt  }
0x4a: {  	_ =	shalt  }
0x4b: {  	_ =	shalt  }
0x4c: {  	_ =	shalt  }
0x4d: {  	_ =	shalt  }
0x4e: {  	_ =	shalt  }
0x4f: {  	_ =	shalt  }
0x50: {  	_ =	shalt  }
0x51: {  	_ =	shalt  }
0x52: {  	_ =	shalt  }
0x53: {  	_ =	shalt  }
0x54: {  	_ =	shalt  }
0x55: {  	_ =	shalt  }
0x56: {  	_ =	shalt  }
0x57: {  	_ =	shalt  }
0x58: {  	_ =	shalt  }
0x59: {  	_ =	shalt  }
0x5a: {  	_ =	shalt  }
0x5b: {  	_ =	shalt  }
0x5c: {  	_ =	shalt  }
0x5d: {  	_ =	shalt  }
0x5e: {  	_ =	shalt  }
0x5f: {  	_ =	shalt  }
0x60: {  	_ =	shalt  }
0x61: {  	_ =	shalt  }
0x62: {  	_ =	shalt  }
0x63: {  	_ =	shalt  }
0x64: {  	_ =	shalt  }
0x65: {  	_ =	shalt  }
0x66: {  	_ =	shalt  }
0x67: {  	_ =	shalt  }
0x68: {  	_ =	shalt  }
0x69: {  	_ =	shalt  }
0x6a: {  	_ =	shalt  }
0x6b: {  	_ =	shalt  }
0x6c: {  	_ =	shalt  }
0x6d: {  	_ =	shalt  }
0x6e: {  	_ =	shalt  }
0x6f: {  	_ =	shalt  }
0x70: {  	_ =	shalt  }
0x71: {  	_ =	shalt  }
0x72: {  	_ =	shalt  }
0x73: {  	_ =	shalt  }
0x74: {  	_ =	shalt  }
0x75: {  	_ =	shalt  }
0x76: {  	_ =	shalt  }
0x77: {  	_ =	shalt  }
0x78: {  	_ =	shalt  }
0x79: {  	_ =	shalt  }
0x7a: {  	_ =	shalt  }
0x7b: {  	_ =	shalt  }
0x7c: {  	_ =	shalt  }
0x7d: {  	_ =	shalt  }
0x7e: {  	_ =	shalt  }
0x7f: {  	_ =	shalt  }
0x80: {  	_ =	shalt  }
0x81: {  	_ =	shalt  }
0x82: {  	_ =	shalt  }
0x83: {  	_ =	shalt  }
0x84: {  	_ =	shalt  }
0x85: {  	_ =	shalt  }
0x86: {  	_ =	shalt  }
0x87: {  	_ =	shalt  }
.Lfunc_end0:
.L_simem_size_0:
called_computation.3_lowered:
.L_overlay_start_0:
0x88: {  	s2 =	sld [smem:$0x3FD9]  }
0x89: {  	s3 =	sld [smem:$0x3FFE];
	_ =	sdelay $0x1  }
0x8a: {  	s1 =	srdreg.scid  }
0x8b: {  	s0 =	sand.u32 $0x1, s1  }
0x8c: {  	s17 =	sshll.u32 s0, $0xA;
	s2 =	sadd.s32 s3, s2  }
0x8d: {  	s2 =	sadd.s32 s2, s17  }
0x8e: {  	[smem:$0x3FC6] =	sst s2  }
0x8f: {  	_ = 	snop  }
0x90: {  	s2 =	sld [smem:$0x3FD0];
	(tm) =	ssettm $0x1  }
0x91: {  	s18 =	sld [smem:$0x3FFB];
	_ =	sdelay $0x3  }
0x92: {  	_ =	strace s18  }
0x93: {  	s3 =	sld [smem:$0x3FFC];
	_ =	sdelay $0x3  }
0x94: {  	_ =	strace s3  }
0x95: {  	s3 =	sld [smem:$0x3FFD];
	_ =	sdelay $0x3  }
0x96: {  	_ =	strace s3  }
0x97: {  	_ =	strace $0x8FFFFFFF  }
0x98: {  	s19 =	sld [smem:$0x3FDB];
	_ =	sdelay $0x1  }
0x99: {  	s4 =	simm.s32 $_scs_section_size  }
0x9a: {  	s5 =	simm.s32 $_size__tile_overlayer_lowered;
	s6 =	simm.s32 $_tile_overlayer_lowered  }
0x9b: {  	s22 =	simm.s32 $0x1BFF;
	s21 =	sshll.u32 s6, $0x1;
	s3 =	sadd.s32 s4, s19  }
0x9c: {  	s7 =	simm.s32 $0x0;
	s20 =	sshll.u32 s5, $0x1;
	s5 =	sadd.s32 s21, s3  }
0x9d: {  	[timem:s7], [sflag:s22] =	dma.local [hbm:s5], s20  }
0x9e: {  	_ =	swait.ge [sflag:s22], s20  }
0x9f: {  	s4 =	ssub.s32 $0x0, s20;
	[sflag:s22] =	ssyncset.done $0x0  }
0xa0: {  	[sflag:s22] =	ssyncadd.s32 s4;
	_ =	sdelay $0x1  }
0xa1: {  	s23 =	simm.s32 $0x1B8B  }
0xa2: {  	_ =	swait.ge [sflag:s23], $0x1  }
0xa3: {  	[sflag:s23] =	ssyncset.done $0x0  }
0xa4: {  	s25 =	simm.s32 $0x1B8E;
	s24 =	sld [smem:$0x3FFE];
	[sflag:s23] =	ssyncadd.s32 $0xFFFFFFFF  }
0xa5: {  	s26 =	simm.s32 $execute0_lowered;
	[smem:$0x3FD2] =	sst s25  }
0xa6: {  	s5 =	sshll.u32 s26, $0x1;
	_ =	strace $0x8000004F;
	[dreg:$0x1] =	wrdreg $0xFFFFFFFF  }
0xa7: {  	s28 =	simm.s32 $_size_execute0_lowered;
	s3 =	sadd.s32 s3, s5;
	[dreg:$0x0] =	wrdreg $0x0  }
0xa8: {  	s5 =	sshll.u32 s28, $0x1;
	[dreg:$0x2] =	wrdreg s3  }
0xa9: {  	[dreg:$0x3] =	wrdreg s5  }
0xaa: {  	[dreg:$0x4] =	wrdreg $0xC0  }
0xab: {  	_ =	task [dreg:s7], $0x5FFFF  }
0xac: {  	[dreg:$0x1] =	wrdreg $0xFFFFFFFF  }
0xad: {  	[dreg:$0x0] =	wrdreg $0x60  }
0xae: {  	[dreg:$0x2] =	wrdreg s24  }
0xaf: {  	[dreg:$0x3] =	wrdreg s2  }
0xb0: {  	[dreg:$0x4] =	wrdreg $0x20300  }
0xb1: {  	[dreg:$0x5] =	wrdreg $0x9  }
0xb2: {  	_ =	task.clear_ibuf [dreg:s7], $0x6FFFF;
	_ =	strace $0x9000004F  }
0xb3: {  	s29 =	simm.s32 $0x9;
	_ =	strace $0x80000051  }
0xb4: {  	_ =	swait.ge [sflag:s29], $0x1  }
0xb5: {  	[sflag:s29] =	ssyncadd.s32 $0xFFFFFFFF  }
0xb6: {  	_ =	strace $0x90000051  }
0xb7: {  	_ =	sfence  }
0xb8: {  	s30 =	sld [smem:$0x0];
	_ =	sdelay $0x2  }
0xb9: {  	s31 =	sshll.u32 s1, $0xD;
	s1 =	sshrl.u32 s1, $0x2  }
0xba: {  	s3 =	sand.u32 $0x4000, s31;
	s1 =	sadd.s32 s1, s30  }
0xbb: {  	s0 =	sor.u32 s3, s0;
	s1 =	sshll.u32 s1, $0x11  }
0xbc: {  	s0 =	sor.u32 s1, s0  }
0xbd: {  	s0 =	sadd.s32 $0x8F2B, s0  }
0xbe: {  	[sflag:s0] =	ssyncadd.remote.s32 $0x1  }
0xbf: {  	_ =	sfence.sel $0xFFFF  }
0xc0: {  	[dreg:$0x0] =	wrdreg $0xFFFFFFFF;
	(pc) =	sbr.abs _section_cstart, $3  }
0xc1: {  	[dreg:$0x1] =	wrdreg $0xFFFFFFFF  }
0xc2: {  	_ =	task.clear_ibuf [dreg:s7], $0x2FFFF;
	_ =	strace $0x9FFFFFFF  }
0xc3: {  	(tm) =	ssettm $0x7FFFFFFF  }
tec
execute0_lowered:
.L_overlay_start_1:
0x0: {  	(tag) =	ssettag $0x1  }
0x1: {  	s4 =	rddreg [dreg:$0x0]  }
0x2: {  	s1 =	rddreg [dreg:$0x1]  }
0x3: {  	s2 =	rddreg [dreg:$0x2]  }
0x4: {  	s0 =	rddreg [dreg:$0x3];
	s3 =	simm.s32 $0x0  }
0x5: {  	s6 =	srdreg.scid;
	s14 =	simm.s32 $0x2020;
	s15 =	simm.s32 $0x0  }
0x6: {  	[smem:$0x7FF] =	sst s3;
	s5 =	sadd.s32 $0x260E00, s4;
	s11 =	sand.u32 $0x1, s6  }
0x7: {  	s6 =	sadd.s32 $0x2A0E00, s4;
	s4 =	stileid.u32;
	_ =	strace $0x80000050  }
.Ltmp0:
0x8: {  	s8 =	ssub.s32 $0x2, s11;
	s7 =	sshll.u32 s4, $0xC;
	(pc) =	sbr.rel .LBB2_1-.Ltmp0, $4  }
0x9: {  	s10 =	sshll.u32 s4, $0x9;
	s13 =	sor.u32 s4, s11;
	p0 =	sne.s32 s11, $0x0  }
0xa: {  	s11 =	simm.s32 $0x1000;
	s9 =	sshrl.u32 s8, $0x1;
	p1 =	sne.s32 s13, $0x0  }
0xb: {  	s13 =	simm.s32 $0x2000;
	s12 =	ssub.s32 s8, s9;
	s8 =	sadd.s32 s5, s10  }
0xc: {  	vm0 =	vmxor vm0, vm0;
	v0 =	vimm.s32 $0xF;
	s9 =	sadd.s32 s7, s2;
	s10 =	smax.u32 s12, $0x1;
	s12 =	simm.s32 $0x1  }
.LBB2_7:
.Ltmp1:
0xd: {  	(pc) =	sbr.rel @!p1 .LBB2_8-.Ltmp1, $2  }
0xe: {  	_ =	sdelay $0x1  }
0xf: {  	[bflag:$0x0] =	sbarrier.arrive $0xFFFF;
	_ =	sdelay $0x1  }
.LBB2_13:
0x10: {  	s15 =	sadd.s32 $0x1, s15  }
0x11: {  	p2 =	sne.s32 s15, s10  }
.Ltmp2:
0x12: {  	_ = 	snop;
	(pc) =	sbr.rel @!p2 .LBB2_14-.Ltmp2, $1  }
0x13: {  	_ =	sdelay $0x3  }
.LBB2_1:
.Ltmp3:
0x14: {  	(pc) =	sbr.rel @p0 .LBB2_7-.Ltmp3, $1  }
0x15: {  	_ =	sdelay $0x3  }
0x16: {  	[tilespmem:s3], [sflag:$0x1] =	stream.linear.gather [hbm4b:s8+s3], $0x1000, $0x38;
	[tilespmem:$0x3030] =	vst v63  }
0x17: {  	s16 =	simm.s32 $0x1  }
0x18: {  	_ =	swait.ge [sflag:s16], $0x1000  }
0x19: {  	[sflag:s16] =	ssyncset.done $0x0  }
0x1a: {  	[sflag:s16] =	ssyncadd.s32 $0xFFFFF000  }
.LBB2_3:
0x1b: {  	s17 =	sshll.u32 s16, $0x10  }
0x1c: {  	s17 =	sor.u32 s7, s17  }
0x1d: {  	s17 =	sshrl.u32 s17, $0x3  }
0x1e: {  	s18 =	simm.s32 $0x0;
	s17 =	sadd.s32 s5, s17  }
0x1f: {  	[tilespmem:s11], [sflag:$0x1] =	stream.linear.gather [hbm4b:s17+s18], $0x1000, $0x38;
	[tilespmem:$0x3030] =	vst v63  }
0x20: {  	_ =	swait.ge [sflag:s12], $0x1000  }
0x21: {  	[sflag:s12] =	ssyncset.done $0x0  }
0x22: {  	s17 =	simm.s32 $0x0;
	[sflag:s12] =	ssyncadd.s32 $0xFFFFF000  }
0x23: {  	s18 =	simm.s32 $0x40;
	v1 =	vld [tilespmem:s17+$0x1000]  }
.LBB2_4:
0x24: {  	p2 =	sne.s32 s18, $0x3FC0;
	v2 =	vld [tilespmem:s17+$0x0];
	_ =	sdelay $0x1  }
.Ltmp4:
0x25: {  	(pc) =	sbr.rel @p2 .LBB2_4-.Ltmp4, $3  }
0x26: {  	_ =	sdelay $0x1  }
0x27: {  	s19 =	sshra.s32 s18, $0x2;
	v2 =	vadd.s32 v2, v1  }
0x28: {  	s18 =	sadd.s32 $0x40, s18;
	v1 =	vld [tilespmem:s19+$0x1000];
	[tilespmem:s17+$0x0] =	vst v2;
	s17 =	smov.u32 s19  }
0x29: {  	v2 =	vld [tilespmem:s17+$0x0];
	s16 =	sadd.s32 $0x1, s16  }
0x2a: {  	p2 =	sne.s32 s16, $0x20  }
.Ltmp5:
0x2b: {  	_ = 	snop;
	(pc) =	sbr.rel @p2 .LBB2_3-.Ltmp5, $3  }
0x2c: {  	_ =	sdelay $0x1  }
0x2d: {  	v1 =	vadd.s32 v2, v1  }
0x2e: {  	[tilespmem:s17+$0x0] =	vst v1  }
.Ltmp6:
0x2f: {  	(pc) =	sbr.rel .LBB2_7-.Ltmp6, $4  }
0x30: {  	[spmem:s9] =	stream.linear.scatter [tilespmem:s3], [sflag:$0x1], $0x1000, $0x38;
	[tilespmem:$0x3030] =	vst v63  }
0x31: {  	_ =	swait.ge [sflag:s12], $0x1000  }
0x32: {  	[sflag:s12] =	ssyncset.done $0x0  }
0x33: {  	[sflag:s12] =	ssyncadd.s32 $0xFFFFF000  }
.LBB2_8:
0x34: {  	s16 =	simm.s32 $0x0  }
0x35: {  	[tilespmem:s13], [sflag:$0x1] =	stream.linear.gather [hbm4b:s6+s16], $0x20, $0x38;
	[tilespmem:$0x3030] =	vst v63  }
0x36: {  	_ =	swait.ge [sflag:s12], $0x20  }
0x37: {  	[sflag:s12] =	ssyncset.done $0x0  }
0x38: {  	[sflag:s12] =	ssyncadd.s32 $0xFFFFFFE0  }
0x39: {  	v2 =	vld [tilespmem:$0x2010];
	_ =	sdelay $0x2  }
0x3a: {  	v3 =	vimm.s32 $0x0;
	vm1 =	vmmov vm0;
	v4 =	vimm.s32 $0x0;
	s17 =	simm.s32 $0x0;
	v1 =	vld [tilespmem:$0x2000]  }
.LBB2_9:
0x3b: {  	s18 =	sshll.u32 s17, $0xC  }
0x3c: {  	s18 =	sand.u32 $0x3FFFF000, s18  }
0x3d: {  	s18 =	sadd.s32 s18, s2  }
0x3e: {  	[tilespmem:s11], [sflag:$0x1] =	stream.linear.gather [spmem:s18], $0x1000, $0x38;
	[tilespmem:$0x3030] =	vst v63  }
0x3f: {  	_ =	swait.ge [sflag:s12], $0x1000  }
0x40: {  	[sflag:s12] =	ssyncset.done $0x0  }
0x41: {  	s29 =	simm.s32 $0x0;
	[sflag:s12] =	ssyncadd.s32 $0xFFFFF000  }
0x42: {  	v5 =	vld [tilespmem:s29+$0x1000];
	_ =	sdelay $0x4  }
0x43: {  	s30 =	simm.s32 $0x10;
	(xrf0) =	vadd.scan.msk.s32 $0xffff, v5  }
0x44: {  	v5 =	vld [tilespmem:s30+$0x1000];
	_ =	sdelay $0x4  }
0x45: {  	s31 =	simm.s32 $0x20;
	(xrf0) =	vadd.scan.msk.s32 $0xffff, v5;
	v5, _, _ =	vpop (xrf0)  }
0x46: {  	v6 =	vld [tilespmem:s31+$0x1000];
	v4 =	vadd.s32 v4, v5  }
0x47: {  	vm2 =	vge.s32 v4, v2  }
0x48: {  	v5 =	vmpcnt.ones.xlane vm2  }
0x49: {  	v7 =	vmctz.xlane vm2  }
0x4a: {  	v4 =	vperm.xlane v4, v0;
	vm2 =	vmneg vm1;
	vm3 =	vgt.s32 v5, $0x0  }
0x4b: {  	s19 =	simm.s32 $0x100;
	s20 =	simm.s32 $0x30;
	s18 =	smov.u32 s16;
	(xrf0) =	vadd.scan.msk.s32 $0xffff, v6;
	v5 =	vadd.s32 s16, v7;
	v6, _, _ =	vpop (xrf0);
	vm2 =	vmand vm3, vm2;
	vm1 =	vmor vm1, vm3  }
.LBB2_10:
0x4c: {  	p2 =	sne.s32 s19, $0x3FC0;
	v7 =	vld [tilespmem:s20+$0x1000];
	v4 =	vadd.s32 v4, v6;
	vm3 =	vmneg vm1;
	v3 =	vsel vm2, v5, v3;
	s20 =	smov.u32 s19;
	s19 =	sadd.s32 $0x40, s19  }
.Ltmp7:
0x4d: {  	vm2 =	vge.s32 v4, v2;
	v4 =	vperm.xlane v4, v0;
	(pc) =	sbr.rel @p2 .LBB2_10-.Ltmp7, $4  }
0x4e: {  	v5 =	vmpcnt.ones.xlane vm2;
	v8 =	vmctz.xlane vm2  }
0x4f: {  	s18 =	sadd.s32 $0x10, s18  }
0x50: {  	vm4 =	vgt.s32 v5, $0x0;
	v5 =	vadd.s32 s18, v8  }
0x51: {  	s20 =	sshra.s32 s20, $0x2;
	(xrf0) =	vadd.scan.msk.s32 $0xffff, v7;
	v6, _, _ =	vpop (xrf0);
	vm2 =	vmand vm4, vm3;
	vm1 =	vmor vm1, vm4  }
0x52: {  	v7 =	vld [tilespmem:s20+$0x1000];
	_ =	sdelay $0x4  }
0x53: {  	v4 =	vadd.s32 v4, v6;
	(xrf0) =	vadd.scan.msk.s32 $0xffff, v7  }
0x54: {  	vm3 =	vge.s32 v4, v2;
	v4 =	vperm.xlane v4, v0  }
0x55: {  	v7, _, _ =	vpop (xrf0)  }
0x56: {  	v6 =	vmpcnt.ones.xlane vm3;
	v4 =	vadd.s32 v4, v7  }
0x57: {  	vm4 =	vmneg vm1;
	v3 =	vsel vm2, v5, v3  }
0x58: {  	vm2 =	vgt.s32 v6, $0x0;
	v7 =	vmctz.xlane vm3;
	v5 =	vperm.xlane v4, v0  }
0x59: {  	s18 =	sadd.s32 $0x10, s18;
	vm1 =	vmor vm1, vm2;
	vm3 =	vmand vm2, vm4;
	vm13 =	vge.s32 v4, v2;
	v4, _, _ =	vpop (xrf0)  }
0x5a: {  	s17 =	sadd.s32 $0x1, s17;
	v6 =	vadd.s32 s18, v7;
	v7 =	vmpcnt.ones.xlane vm13;
	v4 =	vadd.s32 v5, v4  }
0x5b: {  	p2 =	sne.s32 s17, $0x10;
	v3 =	vsel vm3, v6, v3;
	v5 =	vmctz.xlane vm13;
	vm2 =	vge.s32 v4, v2  }
.Ltmp8:
0x5c: {  	s18 =	sadd.s32 $0x10, s18;
	vm3 =	vmneg vm1;
	vm14 =	vgt.s32 v7, $0x0;
	v6 =	vmpcnt.ones.xlane vm2;
	(pc) =	sbr.rel @p2 .LBB2_9-.Ltmp8, $4  }
0x5d: {  	vm1 =	vmor vm1, vm14;
	v5 =	vadd.s32 s18, v5;
	v7 =	vmctz.xlane vm2  }
0x5e: {  	vm2 =	vmand vm14, vm3;
	vm3 =	vmneg vm1;
	s18 =	sadd.s32 $0x10, s18;
	vm15 =	vgt.s32 v6, $0x0  }
0x5f: {  	v3 =	vsel vm2, v5, v3;
	v5 =	vadd.s32 s18, v7;
	vm2 =	vmand vm15, vm3  }
0x60: {  	s16 =	sadd.s32 $0x1000, s16;
	v4 =	vperm.xlane v4, v0;
	vm1 =	vmor vm1, vm15;
	v3 =	vsel vm2, v5, v3  }
0x61: {  	v1 =	vshll.u32 v1, $0x10  }
0x62: {  	v1 =	vor.u32 v1, v3  }
.Ltmp9:
0x63: {  	[tilespmem:$0x2020] =	vst v1;
	(pc) =	sbr.rel .LBB2_13-.Ltmp9, $4  }
0x64: {  	[hbm4b:s1+s3] =	stream.linear.scatter [tilespmem:s14], [sflag:$0x1], $0x10, $0x38;
	[tilespmem:$0x3030] =	vst v63  }
0x65: {  	_ =	swait.ge [sflag:s12], $0x10  }
0x66: {  	[sflag:s12] =	ssyncset.done $0x0  }
0x67: {  	[sflag:s12] =	ssyncadd.s32 $0xFFFFFFF0  }
.LBB2_14:
0x68: {  	_ =	sfence.sel $0x180000  }
0x69: {  	[bflag:$0x0] =	sbarrier.arrive $0xFFFF  }
0x6a: {  	p0 =	sne.s32 s4, $0x0;
	_ =	strace $0x90000050  }
0x6b: {  	s0 =	sadd.s32 @!p0 $0x100000, s0;
	[bflag:$0x2] =	sbarrier.arrive $0xFFFF  }
0x6c: {  	[sflag:s0] =	ssyncadd.tile.s32 @!p0 $0x1;
	_ =	shalt  }
.Lfunc_end2:
_tile_overlayer_lowered:
.L_overlay_start_2:
0x6d: {  	(tag) =	ssettag $0x2  }
0x6e: {  	s0 =	rddreg [dreg:$0x0];
	s2 =	stileid.u32  }
0x6f: {  	s1 =	rddreg [dreg:$0x1];
	p0 =	sne.s32 s2, $0x0  }
0x70: {  	s3 =	rddreg [dreg:$0x2];
	[bflag:$0x3] =	sbarrier.arrive $0xFFFF;
	s2 =	simm.s32 @!p0 $0x1C01  }
0x71: {  	[timem:s3], [sflag:s2] =	dma.local @!p0 [hbm:s0], s1  }
0x72: {  	s0 =	simm.s32 @!p0 $0x1  }
0x73: {  	_ =	swait.ge @!p0 [sflag:s0], s1  }
0x74: {  	s1 =	ssub.s32 @!p0 $0x0, s1;
	[sflag:s0] =	ssyncset.done @!p0 $0x0  }
0x75: {  	[sflag:s0] =	ssyncadd.s32 @!p0 s1  }
0x76: {  	[bflag:$0x3] =	sbarrier.arrive $0xFFFF  }
0x77: {  	_ =	shalt  }

// kernel: kernel.8.cloned.1.call-start
scs
__scs_entry_jumppad:
0x0: {  	(pc) =	sbr.rel $0x88, $3  }
0x1: {  	(tag) =	ssettag $0x0;
	lr =	simm.s32 $0x1  }
0x2: {  	[smem:$0x3F9F] =	sst lr;
	_ =	strace $0xD0000000  }
0x3: {  	_ = 	snop  }
0x4: {  	_ = 	snop  }
0x5: {  	_ = 	snop  }
0x6: {  	_ = 	snop  }
0x7: {  	_ = 	snop  }
__scs_overlays_trampoline_lowered:
0x8: {  	[smem:$0x3FAE] =	sst s0  }
0x9: {  	[smem:$0x3FAF] =	sst s1  }
0xa: {  	[smem:$0x3FB0] =	sst s2  }
0xb: {  	[smem:$0x3FB1] =	sst s3  }
0xc: {  	[smem:$0x3FB2] =	sst s4  }
0xd: {  	[smem:$0x3FB3] =	sst s5  }
0xe: {  	[smem:$0x3FB4] =	sst s6  }
0xf: {  	[smem:$0x3FB5] =	sst s7  }
0x10: {  	[smem:$0x3FB6] =	sst s8  }
0x11: {  	[smem:$0x3FB7] =	sst s9;
	s0 =	simm.s32 @!p0 $0x0  }
0x12: {  	s1 =	sld [smem:$0x3F9D];
	s0 =	simm.s32 @p0 $0x1  }
0x13: {  	[smem:$0x3FB8] =	sst s0;
	s0 =	simm.s32 @!p1 $0x0  }
0x14: {  	s2 =	sld [smem:$0x3F9C];
	s0 =	simm.s32 @p1 $0x1  }
0x15: {  	[smem:$0x3FB9] =	sst s0;
	s0 =	simm.s32 @!p2 $0x0  }
0x16: {  	s3 =	sld [smem:$0x3FDB];
	s0 =	simm.s32 @p2 $0x1  }
0x17: {  	s4 =	simm.s32 $0x1BF5;
	[smem:$0x3FBB] =	sst s0  }
0x18: {  	s0 =	sld [smem:$0x3F9E];
	_ =	swait.ge [sflag:s4], $0x0  }
0x19: {  	s7 =	sld [smem:$0x3F9F]  }
0x1a: {  	s8 =	sadd.s32 $0xFFFFE003, lr  }
0x1b: {  	s9 =	sadd.s32 $0xFFFFFEF7, lr;
	s5 =	simm.s32 $0xFFFFFFFF;
	p2 =	slt.u32 s8, $0xFFFFF086  }
0x1c: {  	p1 =	slt.u32 s9, $0xF7A;
	s5 =	simm.s32 @!p2 $0x0  }
0x1d: {  	s5 =	simm.s32 @p1 $0x1;
	p0 =	seq.s32 s7, s2  }
0x1e: {  	s7 =	smul.u32 @!p0 $0xF7A, s2;
	p2 =	seq.s32 @!p0 s5, $0x0  }
0x1f: {  	s9 =	smul.u32 $0xF7A, s1;
	s8 =	simm.s32 @!p0 $0x1BF5;
	p2 =	por !p2, p0  }
0x20: {  	[sflag:s8] =	ssyncset.s32 @!p0 $0xFFFFF086;
	s6 =	sadd.s32 @!p0 s3, s7;
	s7 =	simm.s32 @!p0 $0x108  }
0x21: {  	s3 =	sadd.s32 s3, s9;
	s6 =	sadd.s32 @!p0 $0x88, s6;
	s7 =	simm.s32 @p2 $0x1082  }
0x22: {  	[simem:s7], [sflag:s8] =	dma.local @!p0 [hbm:s6], $0xF7A  }
0x23: {  	s9 =	sor.u32 $0xD0000000, s2;
	s6 =	simm.s32 $0x108;
	_ =	swait.ge @!p0 [sflag:s8], $0x0  }
0x24: {  	s3 =	sadd.s32 $0x88, s3;
	s6 =	simm.s32 @!p1 $0x1082;
	[sflag:s4] =	ssyncset.s32 $0xFFFFF086  }
0x25: {  	[simem:s6], [sflag:s4] =	dma.local [hbm:s3], $0xF7A  }
0x26: {  	[smem:$0x3F9F] =	sst s1;
	(tag) =	ssettag s2;
	_ =	strace s9  }
0x27: {  	s1 =	sld [smem:$0x3FAF]  }
0x28: {  	s2 =	sld [smem:$0x3FB0]  }
0x29: {  	s4 =	sld [smem:$0x3FB2]  }
0x2a: {  	p0 =	seq.s32 s5, $0x0;
	s5 =	sld [smem:$0x3FB3]  }
0x2b: {  	s6 =	sld [smem:$0x3FB4]  }
0x2c: {  	s7 =	sld [smem:$0x3FB5]  }
0x2d: {  	s3 =	simm.s32 $0x108;
	s8 =	sld [smem:$0x3FB6]  }
0x2e: {  	s3 =	simm.s32 @!p0 $0x1082;
	s9 =	sld [smem:$0x3FB7]  }
0x2f: {  	lr =	sadd.s32 s0, s3;
	s0 =	sld [smem:$0x3FAE]  }
0x30: {  	s3 =	sld [smem:$0x3FB1]  }
0x31: {  	[smem:$0x3FBA] =	sst s10  }
0x32: {  	s10 =	sld [smem:$0x3FB8];
	_ =	sdelay $0x3  }
0x33: {  	p0 =	seq.s32 s10, $0x1;
	s10 =	sld [smem:$0x3FBA];
	_ =	sdelay $0x3  }
0x34: {  	[smem:$0x3FBA] =	sst s10  }
0x35: {  	s10 =	sld [smem:$0x3FB9];
	_ =	sdelay $0x3  }
0x36: {  	p1 =	seq.s32 s10, $0x1;
	s10 =	sld [smem:$0x3FBA];
	_ =	sdelay $0x3  }
0x37: {  	[smem:$0x3FBA] =	sst s10  }
0x38: {  	s10 =	sld [smem:$0x3FBB]  }
0x39: {  	_ = 	snop;
	(pc) =	sbr.ind lr, $3  }
0x3a: {  	_ = 	snop  }
0x3b: {  	_ = 	snop  }
0x3c: {  	p2 =	seq.s32 s10, $0x1;
	s10 =	sld [smem:$0x3FBA]  }
0x3d: {  	_ =	shalt  }
0x3e: {  	_ =	shalt  }
0x3f: {  	_ =	shalt  }
0x40: {  	_ =	shalt  }
0x41: {  	_ =	shalt  }
0x42: {  	_ =	shalt  }
0x43: {  	_ =	shalt  }
0x44: {  	_ =	shalt  }
0x45: {  	_ =	shalt  }
0x46: {  	_ =	shalt  }
0x47: {  	_ =	shalt  }
0x48: {  	_ =	shalt  }
0x49: {  	_ =	shalt  }
0x4a: {  	_ =	shalt  }
0x4b: {  	_ =	shalt  }
0x4c: {  	_ =	shalt  }
0x4d: {  	_ =	shalt  }
0x4e: {  	_ =	shalt  }
0x4f: {  	_ =	shalt  }
0x50: {  	_ =	shalt  }
0x51: {  	_ =	shalt  }
0x52: {  	_ =	shalt  }
0x53: {  	_ =	shalt  }
0x54: {  	_ =	shalt  }
0x55: {  	_ =	shalt  }
0x56: {  	_ =	shalt  }
0x57: {  	_ =	shalt  }
0x58: {  	_ =	shalt  }
0x59: {  	_ =	shalt  }
0x5a: {  	_ =	shalt  }
0x5b: {  	_ =	shalt  }
0x5c: {  	_ =	shalt  }
0x5d: {  	_ =	shalt  }
0x5e: {  	_ =	shalt  }
0x5f: {  	_ =	shalt  }
0x60: {  	_ =	shalt  }
0x61: {  	_ =	shalt  }
0x62: {  	_ =	shalt  }
0x63: {  	_ =	shalt  }
0x64: {  	_ =	shalt  }
0x65: {  	_ =	shalt  }
0x66: {  	_ =	shalt  }
0x67: {  	_ =	shalt  }
0x68: {  	_ =	shalt  }
0x69: {  	_ =	shalt  }
0x6a: {  	_ =	shalt  }
0x6b: {  	_ =	shalt  }
0x6c: {  	_ =	shalt  }
0x6d: {  	_ =	shalt  }
0x6e: {  	_ =	shalt  }
0x6f: {  	_ =	shalt  }
0x70: {  	_ =	shalt  }
0x71: {  	_ =	shalt  }
0x72: {  	_ =	shalt  }
0x73: {  	_ =	shalt  }
0x74: {  	_ =	shalt  }
0x75: {  	_ =	shalt  }
0x76: {  	_ =	shalt  }
0x77: {  	_ =	shalt  }
0x78: {  	_ =	shalt  }
0x79: {  	_ =	shalt  }
0x7a: {  	_ =	shalt  }
0x7b: {  	_ =	shalt  }
0x7c: {  	_ =	shalt  }
0x7d: {  	_ =	shalt  }
0x7e: {  	_ =	shalt  }
0x7f: {  	_ =	shalt  }
0x80: {  	_ =	shalt  }
0x81: {  	_ =	shalt  }
0x82: {  	_ =	shalt  }
0x83: {  	_ =	shalt  }
0x84: {  	_ =	shalt  }
0x85: {  	_ =	shalt  }
0x86: {  	_ =	shalt  }
0x87: {  	_ =	shalt  }
.Lfunc_end0:
.L_simem_size_0:
called_computation_lowered:
.L_overlay_start_0:
0x88: {  	s2 =	sld [smem:$0x3FD9]  }
0x89: {  	s3 =	sld [smem:$0x3FFE];
	_ =	sdelay $0x1  }
0x8a: {  	s1 =	srdreg.scid  }
0x8b: {  	s0 =	sand.u32 $0x1, s1  }
0x8c: {  	s16 =	sshll.u32 s0, $0xA;
	s2 =	sadd.s32 s3, s2  }
0x8d: {  	s2 =	sadd.s32 s2, s16  }
0x8e: {  	[smem:$0x3FC6] =	sst s2  }
0x8f: {  	_ = 	snop  }
0x90: {  	(tm) =	ssettm $0x1  }
0x91: {  	s17 =	sld [smem:$0x3FFB];
	_ =	sdelay $0x3  }
0x92: {  	_ =	strace s17  }
0x93: {  	s2 =	sld [smem:$0x3FFC];
	_ =	sdelay $0x3  }
0x94: {  	_ =	strace s2  }
0x95: {  	s2 =	sld [smem:$0x3FFD];
	_ =	sdelay $0x3  }
0x96: {  	_ =	strace s2  }
0x97: {  	_ =	strace $0x8FFFFFFF  }
0x98: {  	s18 =	sld [smem:$0x3FDB];
	_ =	sdelay $0x1  }
0x99: {  	s19 =	simm.s32 $_scs_section_size  }
0x9a: {  	s4 =	simm.s32 $_size__tile_overlayer_lowered;
	s5 =	simm.s32 $_tile_overlayer_lowered  }
0x9b: {  	s22 =	simm.s32 $0x1BFF;
	s21 =	sshll.u32 s5, $0x1;
	s2 =	sadd.s32 s19, s18  }
0x9c: {  	s6 =	simm.s32 $0x0;
	s20 =	sshll.u32 s4, $0x1;
	s4 =	sadd.s32 s21, s2  }
0x9d: {  	[timem:s6], [sflag:s22] =	dma.local [hbm:s4], s20  }
0x9e: {  	_ =	swait.ge [sflag:s22], s20  }
0x9f: {  	s3 =	ssub.s32 $0x0, s20;
	[sflag:s22] =	ssyncset.done $0x0  }
0xa0: {  	[sflag:s22] =	ssyncadd.s32 s3;
	_ =	sdelay $0x1  }
0xa1: {  	s23 =	simm.s32 $0x1B8B  }
0xa2: {  	_ =	swait.ge [sflag:s23], $0x1  }
0xa3: {  	[sflag:s23] =	ssyncset.done $0x0  }
0xa4: {  	s25 =	simm.s32 $0x1B8E;
	s24 =	sld [smem:$0x3FFE];
	[sflag:s23] =	ssyncadd.s32 $0xFFFFFFFF  }
0xa5: {  	s26 =	simm.s32 $execute0_lowered;
	[smem:$0x3FD2] =	sst s25  }
0xa6: {  	s4 =	sshll.u32 s26, $0x1;
	_ =	strace $0x80000046;
	[dreg:$0x1] =	wrdreg $0xFFFFFFFF  }
0xa7: {  	s28 =	simm.s32 $_size_execute0_lowered;
	s2 =	sadd.s32 s2, s4;
	[dreg:$0x0] =	wrdreg $0x0  }
0xa8: {  	s4 =	sshll.u32 s28, $0x1;
	[dreg:$0x2] =	wrdreg s2  }
0xa9: {  	[dreg:$0x3] =	wrdreg s4  }
0xaa: {  	[dreg:$0x4] =	wrdreg $0xC0  }
0xab: {  	_ =	task [dreg:s6], $0x5FFFF  }
0xac: {  	[dreg:$0x1] =	wrdreg $0xFFFFFFFF  }
0xad: {  	[dreg:$0x0] =	wrdreg $0x60  }
0xae: {  	[dreg:$0x2] =	wrdreg s24  }
0xaf: {  	[dreg:$0x3] =	wrdreg $0x9  }
0xb0: {  	_ =	task.clear_ibuf [dreg:s6], $0x4FFFF;
	_ =	strace $0x90000046  }
0xb1: {  	s29 =	simm.s32 $0x9;
	_ =	strace $0x80000048  }
0xb2: {  	_ =	swait.ge [sflag:s29], $0x1  }
0xb3: {  	[sflag:s29] =	ssyncadd.s32 $0xFFFFFFFF  }
0xb4: {  	_ =	strace $0x90000048  }
0xb5: {  	_ =	sfence  }
0xb6: {  	s30 =	sld [smem:$0x0];
	_ =	sdelay $0x2  }
0xb7: {  	s31 =	sshll.u32 s1, $0xD;
	s1 =	sshrl.u32 s1, $0x2  }
0xb8: {  	s3 =	sand.u32 $0x4000, s31;
	s1 =	sadd.s32 s1, s30  }
0xb9: {  	s0 =	sor.u32 s3, s0;
	s1 =	sshll.u32 s1, $0x11  }
0xba: {  	s0 =	sor.u32 s1, s0  }
0xbb: {  	s0 =	sadd.s32 $0x8F2B, s0  }
0xbc: {  	[sflag:s0] =	ssyncadd.remote.s32 $0x1  }
0xbd: {  	_ =	sfence.sel $0xFFFF  }
0xbe: {  	[dreg:$0x0] =	wrdreg $0xFFFFFFFF;
	(pc) =	sbr.abs _section_cstart, $3  }
0xbf: {  	[dreg:$0x1] =	wrdreg $0xFFFFFFFF  }
0xc0: {  	_ =	task.clear_ibuf [dreg:s6], $0x2FFFF;
	_ =	strace $0x9FFFFFFF  }
0xc1: {  	(tm) =	ssettm $0x7FFFFFFF  }
tec
execute0_lowered:
.L_overlay_start_1:
0x0: {  	(tag) =	ssettag $0x1  }
0x1: {  	s1 =	srdreg.scid  }
0x2: {  	s0 =	stileid.u32;
	s5 =	rddreg [dreg:$0x0];
	s2 =	simm.s32 $0x0  }
0x3: {  	s10 =	simm.s32 $0x1;
	s11 =	simm.s32 $0x4000;
	s12 =	simm.s32 $0x2  }
0x4: {  	s13 =	simm.s32 $0x3;
	s6 =	sand.u32 $0x1, s1;
	s3 =	sshll.u32 s0, $0x1  }
0x5: {  	s14 =	simm.s32 $0x0;
	s1 =	rddreg [dreg:$0x1];
	s7 =	sor.u32 s6, s3  }
0x6: {  	[smem:$0x7FF] =	sst s2;
	s4 =	sadd.s32 $0xE00, s5;
	s3 =	smul.u32 $0x98000, s7  }
0x7: {  	_ =	strace $0x80000047;
	s6 =	ssub.s32 $0x2, s6;
	s7 =	sshll.u32 s7, $0xD  }
0x8: {  	s8 =	sshrl.u32 s6, $0x1;
	s7 =	sadd.s32 s7, s5;
	s9 =	sshrl.u32 s3, $0x3  }
0x9: {  	s8 =	ssub.s32 s6, s8;
	s7 =	sadd.s32 $0x260E00, s7;
	s5 =	sadd.s32 s4, s9  }
0xa: {  	v0 =	vimm.s32 $0x0;
	v1 =	vimm.s32 $0x1;
	s8 =	smax.u32 s8, $0x1;
	s9 =	simm.s32 $0x2000;
	s6 =	sadd.s32 $0x400, s5  }
.LBB2_1:
0xb: {  	s15 =	simm.s32 $0x40;
	s16 =	simm.s32 $0x0  }
.LBB2_2:
0xc: {  	p0 =	sne.s32 s15, $0x3FFC0;
	[tilespmem:s16+$0x4000] =	vst v0;
	s16 =	smov.u32 s15;
	s15 =	sadd.s32 $0x40, s15  }
.Ltmp0:
0xd: {  	(pc) =	sbr.rel @p0 .LBB2_2-.Ltmp0, $2  }
0xe: {  	_ =	sdelay $0x2  }
0xf: {  	s16 =	sshra.s32 s16, $0x2  }
0x10: {  	[tilespmem:s16+$0x4000] =	vst v0;
	s15 =	simm.s32 $0x0  }
0x11: {  	[tilespmem:s15], [sflag:$0x1] =	stream.linear.gather [hbm4b:s5+s15], $0x2000, $0x38;
	[tilespmem:$0x14000] =	vst v63  }
0x12: {  	_ = 	snop  }
0x13: {  	[tilespmem:s9], [sflag:$0x2] =	stream.linear.gather [hbm4b:s6+s15], $0x2000, $0x38;
	[tilespmem:$0x14000] =	vst v63  }
.LBB2_4:
0x14: {  	_ =	swait.ge [sflag:s10], $0x2000  }
0x15: {  	[sflag:s10] =	ssyncset.done $0x0  }
0x16: {  	s16 =	simm.s32 $0x40;
	[sflag:s10] =	ssyncadd.s32 $0xFFFFE000  }
0x17: {  	v2 =	vld [tilespmem:s16+$0x30]  }
0x18: {  	v3 =	vld [tilespmem:s16+$0xFFFFFFD0]  }
0x19: {  	v4 =	vld [tilespmem:s16+$0xFFFFFFE0]  }
0x1a: {  	v5 =	vld [tilespmem:s16+$0xFFFFFFF0]  }
0x1b: {  	v6 =	vld [tilespmem:s16+$0x0]  }
0x1c: {  	v7 =	vld [tilespmem:s16+$0x10];
	v2 =	vshrl.u32 v2, $0x10  }
0x1d: {  	v3 =	vshrl.u32 v3, $0x10  }
0x1e: {  	v4 =	vshrl.u32 v4, $0x10  }
0x1f: {  	v8 =	vld [tilespmem:s16+$0x20];
	v5 =	vshrl.u32 v5, $0x10  }
0x20: {  	v9 =	vld [tilespmem:s16+$0xFFFFFFC0];
	v6 =	vshrl.u32 v6, $0x10  }
0x21: {  	v7 =	vshrl.u32 v7, $0x10;
	[tilespmem:v2+s11+$0x0] =	vst.idx.add.s32.msk $0xffff, v1  }
0x22: {  	[tilespmem:v3+s11+$0x0] =	vst.idx.add.s32.msk $0xffff, v1  }
0x23: {  	[tilespmem:v4+s11+$0x0] =	vst.idx.add.s32.msk $0xffff, v1  }
0x24: {  	[tilespmem:v5+s11+$0x0] =	vst.idx.add.s32.msk $0xffff, v1  }
0x25: {  	[tilespmem:v6+s11+$0x0] =	vst.idx.add.s32.msk $0xffff, v1  }
0x26: {  	s17 =	simm.s32 $0xC0;
	s16 =	simm.s32 $0x0;
	v2 =	vshrl.u32 v8, $0x10;
	v3 =	vshrl.u32 v9, $0x10;
	[tilespmem:v7+s11+$0x0] =	vst.idx.add.s32.msk $0xffff, v1  }
.LBB2_5:
0x27: {  	v4 =	vld [tilespmem:s17+$0x30];
	s16 =	sadd.s32 $0x8, s16  }
0x28: {  	v5 =	vld [tilespmem:s17+$0xFFFFFFD0];
	p0 =	slt.u32 s16, $0x1F8  }
0x29: {  	v6 =	vld [tilespmem:s17+$0xFFFFFFE0]  }
0x2a: {  	v7 =	vld [tilespmem:s17+$0xFFFFFFF0]  }
0x2b: {  	v8 =	vld [tilespmem:s17+$0x0]  }
0x2c: {  	v9 =	vld [tilespmem:s17+$0x10];
	v4 =	vshrl.u32 v4, $0x10  }
0x2d: {  	v5 =	vshrl.u32 v5, $0x10;
	v10 =	vld [tilespmem:s17+$0x20]  }
0x2e: {  	v11 =	vld [tilespmem:s17+$0xFFFFFFC0];
	v6 =	vshrl.u32 v6, $0x10  }
0x2f: {  	v7 =	vshrl.u32 v7, $0x10;
	[tilespmem:v3+s11+$0x0] =	vst.idx.add.s32.msk $0xffff, v1  }
0x30: {  	v8 =	vshrl.u32 v8, $0x10;
	[tilespmem:v2+s11+$0x0] =	vst.idx.add.s32.msk $0xffff, v1  }
0x31: {  	v9 =	vshrl.u32 v9, $0x10;
	[tilespmem:v4+s11+$0x0] =	vst.idx.add.s32.msk $0xffff, v1  }
.Ltmp1:
0x32: {  	[tilespmem:v5+s11+$0x0] =	vst.idx.add.s32.msk $0xffff, v1;
	v2 =	vshrl.u32 v10, $0x10;
	(pc) =	sbr.rel @p0 .LBB2_5-.Ltmp1, $4  }
0x33: {  	v3 =	vshrl.u32 v11, $0x10;
	[tilespmem:v6+s11+$0x0] =	vst.idx.add.s32.msk $0xffff, v1  }
0x34: {  	[tilespmem:v7+s11+$0x0] =	vst.idx.add.s32.msk $0xffff, v1  }
0x35: {  	[tilespmem:v8+s11+$0x0] =	vst.idx.add.s32.msk $0xffff, v1  }
0x36: {  	s17 =	sadd.s32 $0x80, s17;
	[tilespmem:v9+s11+$0x0] =	vst.idx.add.s32.msk $0xffff, v1  }
0x37: {  	_ = 	snop  }
0x38: {  	s16 =	sshll.u32 s15, $0xE  }
0x39: {  	s16 =	sadd.s32 s3, s16  }
0x3a: {  	s16 =	sshrl.u32 s16, $0x3  }
0x3b: {  	[tilespmem:v3+s11+$0x0] =	vst.idx.add.s32.msk $0xffff, v1;
	s16 =	sadd.s32 s4, s16  }
0x3c: {  	[tilespmem:v2+s11+$0x0] =	vst.idx.add.s32.msk $0xffff, v1;
	s17 =	sadd.s32 $0x800, s16  }
0x3d: {  	[tilespmem:s2], [sflag:$0x1] =	stream.linear.gather [hbm4b:s17+s2], $0x2000, $0x38;
	[tilespmem:$0x14000] =	vst v63  }
0x3e: {  	_ =	swait.ge [sflag:s12], $0x2000  }
0x3f: {  	[sflag:s12] =	ssyncset.done $0x0  }
0x40: {  	s31 =	simm.s32 $0x2040;
	[sflag:s12] =	ssyncadd.s32 $0xFFFFE000  }
0x41: {  	v2 =	vld [tilespmem:s31+$0x30]  }
0x42: {  	v3 =	vld [tilespmem:s31+$0xFFFFFFD0]  }
0x43: {  	v4 =	vld [tilespmem:s31+$0xFFFFFFE0]  }
0x44: {  	v5 =	vld [tilespmem:s31+$0xFFFFFFF0]  }
0x45: {  	v6 =	vld [tilespmem:s31+$0x0]  }
0x46: {  	v7 =	vld [tilespmem:s31+$0x10];
	v2 =	vshrl.u32 v2, $0x10  }
0x47: {  	v3 =	vshrl.u32 v3, $0x10  }
0x48: {  	v4 =	vshrl.u32 v4, $0x10  }
0x49: {  	v8 =	vld [tilespmem:s31+$0x20];
	v5 =	vshrl.u32 v5, $0x10  }
0x4a: {  	v9 =	vld [tilespmem:s31+$0xFFFFFFC0];
	v6 =	vshrl.u32 v6, $0x10  }
0x4b: {  	v7 =	vshrl.u32 v7, $0x10;
	[tilespmem:v2+s11+$0x0] =	vst.idx.add.s32.msk $0xffff, v1  }
0x4c: {  	[tilespmem:v3+s11+$0x0] =	vst.idx.add.s32.msk $0xffff, v1  }
0x4d: {  	[tilespmem:v4+s11+$0x0] =	vst.idx.add.s32.msk $0xffff, v1  }
0x4e: {  	[tilespmem:v5+s11+$0x0] =	vst.idx.add.s32.msk $0xffff, v1  }
0x4f: {  	[tilespmem:v6+s11+$0x0] =	vst.idx.add.s32.msk $0xffff, v1  }
0x50: {  	s18 =	simm.s32 $0x20C0;
	s17 =	simm.s32 $0x0;
	v2 =	vshrl.u32 v8, $0x10;
	v3 =	vshrl.u32 v9, $0x10;
	[tilespmem:v7+s11+$0x0] =	vst.idx.add.s32.msk $0xffff, v1  }
.LBB2_7:
0x51: {  	v4 =	vld [tilespmem:s18+$0x30];
	s17 =	sadd.s32 $0x8, s17  }
0x52: {  	v5 =	vld [tilespmem:s18+$0xFFFFFFD0];
	p0 =	slt.u32 s17, $0x1F8  }
0x53: {  	v6 =	vld [tilespmem:s18+$0xFFFFFFE0]  }
0x54: {  	v7 =	vld [tilespmem:s18+$0xFFFFFFF0]  }
0x55: {  	v8 =	vld [tilespmem:s18+$0x0]  }
0x56: {  	v9 =	vld [tilespmem:s18+$0x10];
	v4 =	vshrl.u32 v4, $0x10  }
0x57: {  	v5 =	vshrl.u32 v5, $0x10;
	v10 =	vld [tilespmem:s18+$0x20]  }
0x58: {  	v11 =	vld [tilespmem:s18+$0xFFFFFFC0];
	v6 =	vshrl.u32 v6, $0x10  }
0x59: {  	v7 =	vshrl.u32 v7, $0x10;
	[tilespmem:v3+s11+$0x0] =	vst.idx.add.s32.msk $0xffff, v1  }
0x5a: {  	v8 =	vshrl.u32 v8, $0x10;
	[tilespmem:v2+s11+$0x0] =	vst.idx.add.s32.msk $0xffff, v1  }
0x5b: {  	v9 =	vshrl.u32 v9, $0x10;
	[tilespmem:v4+s11+$0x0] =	vst.idx.add.s32.msk $0xffff, v1  }
.Ltmp2:
0x5c: {  	[tilespmem:v5+s11+$0x0] =	vst.idx.add.s32.msk $0xffff, v1;
	v2 =	vshrl.u32 v10, $0x10;
	(pc) =	sbr.rel @p0 .LBB2_7-.Ltmp2, $4  }
0x5d: {  	v3 =	vshrl.u32 v11, $0x10;
	[tilespmem:v6+s11+$0x0] =	vst.idx.add.s32.msk $0xffff, v1  }
0x5e: {  	[tilespmem:v7+s11+$0x0] =	vst.idx.add.s32.msk $0xffff, v1  }
0x5f: {  	[tilespmem:v8+s11+$0x0] =	vst.idx.add.s32.msk $0xffff, v1  }
0x60: {  	s18 =	sadd.s32 $0x80, s18;
	[tilespmem:v9+s11+$0x0] =	vst.idx.add.s32.msk $0xffff, v1  }
0x61: {  	s15 =	sadd.s32 $0x1, s15  }
0x62: {  	p0 =	sne.s32 s15, $0x25  }
.Ltmp3:
0x63: {  	_ = 	snop;
	(pc) =	sbr.rel @p0 .LBB2_4-.Ltmp3, $4  }
0x64: {  	_ = 	snop  }
0x65: {  	[tilespmem:v3+s11+$0x0] =	vst.idx.add.s32.msk $0xffff, v1  }
0x66: {  	[tilespmem:v2+s11+$0x0] =	vst.idx.add.s32.msk $0xffff, v1;
	s16 =	sadd.s32 $0xC00, s16  }
0x67: {  	[tilespmem:s9], [sflag:$0x2] =	stream.linear.gather [hbm4b:s16+s2], $0x2000, $0x38;
	[tilespmem:$0x14000] =	vst v63  }
0x68: {  	_ =	swait.ge [sflag:s10], $0x2000  }
0x69: {  	[sflag:s10] =	ssyncset.done $0x0  }
0x6a: {  	s15 =	simm.s32 $0x40;
	[sflag:s10] =	ssyncadd.s32 $0xFFFFE000  }
0x6b: {  	v2 =	vld [tilespmem:s15+$0x30]  }
0x6c: {  	v3 =	vld [tilespmem:s15+$0xFFFFFFD0]  }
0x6d: {  	v4 =	vld [tilespmem:s15+$0xFFFFFFE0]  }
0x6e: {  	v5 =	vld [tilespmem:s15+$0xFFFFFFF0]  }
0x6f: {  	v6 =	vld [tilespmem:s15+$0x0]  }
0x70: {  	v7 =	vld [tilespmem:s15+$0x10];
	v2 =	vshrl.u32 v2, $0x10  }
0x71: {  	v3 =	vshrl.u32 v3, $0x10  }
0x72: {  	v4 =	vshrl.u32 v4, $0x10  }
0x73: {  	v8 =	vld [tilespmem:s15+$0x20];
	v5 =	vshrl.u32 v5, $0x10  }
0x74: {  	v9 =	vld [tilespmem:s15+$0xFFFFFFC0];
	v6 =	vshrl.u32 v6, $0x10  }
0x75: {  	v7 =	vshrl.u32 v7, $0x10;
	[tilespmem:v2+s11+$0x0] =	vst.idx.add.s32.msk $0xffff, v1  }
0x76: {  	[tilespmem:v3+s11+$0x0] =	vst.idx.add.s32.msk $0xffff, v1  }
0x77: {  	[tilespmem:v4+s11+$0x0] =	vst.idx.add.s32.msk $0xffff, v1  }
0x78: {  	[tilespmem:v5+s11+$0x0] =	vst.idx.add.s32.msk $0xffff, v1  }
0x79: {  	[tilespmem:v6+s11+$0x0] =	vst.idx.add.s32.msk $0xffff, v1  }
0x7a: {  	s16 =	simm.s32 $0xC0;
	s15 =	simm.s32 $0x0;
	v2 =	vshrl.u32 v8, $0x10;
	v3 =	vshrl.u32 v9, $0x10;
	[tilespmem:v7+s11+$0x0] =	vst.idx.add.s32.msk $0xffff, v1  }
.LBB2_10:
0x7b: {  	v4 =	vld [tilespmem:s16+$0x30];
	s15 =	sadd.s32 $0x8, s15  }
0x7c: {  	v5 =	vld [tilespmem:s16+$0xFFFFFFD0];
	p0 =	slt.u32 s15, $0x1F8  }
0x7d: {  	v6 =	vld [tilespmem:s16+$0xFFFFFFE0]  }
0x7e: {  	v7 =	vld [tilespmem:s16+$0xFFFFFFF0]  }
0x7f: {  	v8 =	vld [tilespmem:s16+$0x0]  }
0x80: {  	v9 =	vld [tilespmem:s16+$0x10];
	v4 =	vshrl.u32 v4, $0x10  }
0x81: {  	v5 =	vshrl.u32 v5, $0x10;
	v10 =	vld [tilespmem:s16+$0x20]  }
0x82: {  	v11 =	vld [tilespmem:s16+$0xFFFFFFC0];
	v6 =	vshrl.u32 v6, $0x10  }
0x83: {  	v7 =	vshrl.u32 v7, $0x10;
	[tilespmem:v3+s11+$0x0] =	vst.idx.add.s32.msk $0xffff, v1  }
0x84: {  	v8 =	vshrl.u32 v8, $0x10;
	[tilespmem:v2+s11+$0x0] =	vst.idx.add.s32.msk $0xffff, v1  }
0x85: {  	v9 =	vshrl.u32 v9, $0x10;
	[tilespmem:v4+s11+$0x0] =	vst.idx.add.s32.msk $0xffff, v1  }
.Ltmp4:
0x86: {  	[tilespmem:v5+s11+$0x0] =	vst.idx.add.s32.msk $0xffff, v1;
	v2 =	vshrl.u32 v10, $0x10;
	(pc) =	sbr.rel @p0 .LBB2_10-.Ltmp4, $4  }
0x87: {  	v3 =	vshrl.u32 v11, $0x10;
	[tilespmem:v6+s11+$0x0] =	vst.idx.add.s32.msk $0xffff, v1  }
0x88: {  	[tilespmem:v7+s11+$0x0] =	vst.idx.add.s32.msk $0xffff, v1  }
0x89: {  	[tilespmem:v8+s11+$0x0] =	vst.idx.add.s32.msk $0xffff, v1  }
0x8a: {  	s16 =	sadd.s32 $0x80, s16;
	[tilespmem:v9+s11+$0x0] =	vst.idx.add.s32.msk $0xffff, v1  }
0x8b: {  	_ =	sdelay $0x3  }
0x8c: {  	[tilespmem:v3+s11+$0x0] =	vst.idx.add.s32.msk $0xffff, v1  }
0x8d: {  	[tilespmem:v2+s11+$0x0] =	vst.idx.add.s32.msk $0xffff, v1  }
0x8e: {  	_ =	swait.ge [sflag:s12], $0x2000  }
0x8f: {  	[sflag:s12] =	ssyncset.done $0x0  }
0x90: {  	s15 =	simm.s32 $0x2040;
	[sflag:s12] =	ssyncadd.s32 $0xFFFFE000  }
0x91: {  	v2 =	vld [tilespmem:s15+$0x30]  }
0x92: {  	v3 =	vld [tilespmem:s15+$0xFFFFFFD0]  }
0x93: {  	v4 =	vld [tilespmem:s15+$0xFFFFFFE0]  }
0x94: {  	v5 =	vld [tilespmem:s15+$0xFFFFFFF0]  }
0x95: {  	v6 =	vld [tilespmem:s15+$0x0]  }
0x96: {  	v7 =	vld [tilespmem:s15+$0x10];
	v2 =	vshrl.u32 v2, $0x10  }
0x97: {  	v3 =	vshrl.u32 v3, $0x10  }
0x98: {  	v4 =	vshrl.u32 v4, $0x10  }
0x99: {  	v8 =	vld [tilespmem:s15+$0x20];
	v5 =	vshrl.u32 v5, $0x10  }
0x9a: {  	v9 =	vld [tilespmem:s15+$0xFFFFFFC0];
	v6 =	vshrl.u32 v6, $0x10  }
0x9b: {  	v7 =	vshrl.u32 v7, $0x10;
	[tilespmem:v2+s11+$0x0] =	vst.idx.add.s32.msk $0xffff, v1  }
0x9c: {  	[tilespmem:v3+s11+$0x0] =	vst.idx.add.s32.msk $0xffff, v1  }
0x9d: {  	[tilespmem:v4+s11+$0x0] =	vst.idx.add.s32.msk $0xffff, v1  }
0x9e: {  	[tilespmem:v5+s11+$0x0] =	vst.idx.add.s32.msk $0xffff, v1  }
0x9f: {  	[tilespmem:v6+s11+$0x0] =	vst.idx.add.s32.msk $0xffff, v1  }
0xa0: {  	s16 =	simm.s32 $0x20C0;
	s15 =	simm.s32 $0x0;
	v2 =	vshrl.u32 v8, $0x10;
	v3 =	vshrl.u32 v9, $0x10;
	[tilespmem:v7+s11+$0x0] =	vst.idx.add.s32.msk $0xffff, v1  }
.LBB2_12:
0xa1: {  	v4 =	vld [tilespmem:s16+$0x30];
	s15 =	sadd.s32 $0x8, s15  }
0xa2: {  	v5 =	vld [tilespmem:s16+$0xFFFFFFD0];
	p0 =	slt.u32 s15, $0x1F8  }
0xa3: {  	v6 =	vld [tilespmem:s16+$0xFFFFFFE0]  }
0xa4: {  	v7 =	vld [tilespmem:s16+$0xFFFFFFF0]  }
0xa5: {  	v8 =	vld [tilespmem:s16+$0x0]  }
0xa6: {  	v9 =	vld [tilespmem:s16+$0x10];
	v4 =	vshrl.u32 v4, $0x10  }
0xa7: {  	v5 =	vshrl.u32 v5, $0x10;
	v10 =	vld [tilespmem:s16+$0x20]  }
0xa8: {  	v11 =	vld [tilespmem:s16+$0xFFFFFFC0];
	v6 =	vshrl.u32 v6, $0x10  }
0xa9: {  	v7 =	vshrl.u32 v7, $0x10;
	[tilespmem:v3+s11+$0x0] =	vst.idx.add.s32.msk $0xffff, v1  }
0xaa: {  	v8 =	vshrl.u32 v8, $0x10;
	[tilespmem:v2+s11+$0x0] =	vst.idx.add.s32.msk $0xffff, v1  }
0xab: {  	v9 =	vshrl.u32 v9, $0x10;
	[tilespmem:v4+s11+$0x0] =	vst.idx.add.s32.msk $0xffff, v1  }
.Ltmp5:
0xac: {  	[tilespmem:v5+s11+$0x0] =	vst.idx.add.s32.msk $0xffff, v1;
	v2 =	vshrl.u32 v10, $0x10;
	(pc) =	sbr.rel @p0 .LBB2_12-.Ltmp5, $4  }
0xad: {  	v3 =	vshrl.u32 v11, $0x10;
	[tilespmem:v6+s11+$0x0] =	vst.idx.add.s32.msk $0xffff, v1  }
0xae: {  	[tilespmem:v7+s11+$0x0] =	vst.idx.add.s32.msk $0xffff, v1  }
0xaf: {  	[tilespmem:v8+s11+$0x0] =	vst.idx.add.s32.msk $0xffff, v1  }
0xb0: {  	s16 =	sadd.s32 $0x80, s16;
	[tilespmem:v9+s11+$0x0] =	vst.idx.add.s32.msk $0xffff, v1  }
0xb1: {  	_ =	sdelay $0x2  }
0xb2: {  	s14 =	sadd.s32 $0x1, s14  }
0xb3: {  	[tilespmem:v3+s11+$0x0] =	vst.idx.add.s32.msk $0xffff, v1;
	p0 =	sne.s32 s14, s8  }
.Ltmp6:
0xb4: {  	[tilespmem:v2+s11+$0x0] =	vst.idx.add.s32.msk $0xffff, v1;
	(pc) =	sbr.rel @p0 .LBB2_1-.Ltmp6, $4  }
0xb5: {  	[hbm4b:s7+s2] =	stream.linear.scatter [tilespmem:s11], [sflag:$0x3], $0x10000, $0x38;
	[tilespmem:$0x14000] =	vst v63  }
0xb6: {  	_ =	swait.ge [sflag:s13], $0x10000  }
0xb7: {  	[sflag:s13] =	ssyncset.done $0x0  }
0xb8: {  	[sflag:s13] =	ssyncadd.s32 $0xFFFF0000  }
0xb9: {  	_ =	sfence.sel $0x180000  }
0xba: {  	[bflag:$0x0] =	sbarrier.arrive $0xFFFF  }
0xbb: {  	p0 =	sne.s32 s0, $0x0;
	_ =	strace $0x90000047  }
0xbc: {  	s0 =	sadd.s32 @!p0 $0x100000, s1;
	[bflag:$0x2] =	sbarrier.arrive $0xFFFF  }
0xbd: {  	[sflag:s0] =	ssyncadd.tile.s32 @!p0 $0x1;
	_ =	shalt  }
.Lfunc_end2:
_tile_overlayer_lowered:
.L_overlay_start_2:
0xbe: {  	(tag) =	ssettag $0x2  }
0xbf: {  	s0 =	rddreg [dreg:$0x0];
	s2 =	stileid.u32  }
0xc0: {  	s1 =	rddreg [dreg:$0x1];
	p0 =	sne.s32 s2, $0x0  }
0xc1: {  	s3 =	rddreg [dreg:$0x2];
	[bflag:$0x3] =	sbarrier.arrive $0xFFFF;
	s2 =	simm.s32 @!p0 $0x1C03  }
0xc2: {  	[timem:s3], [sflag:s2] =	dma.local @!p0 [hbm:s0], s1  }
0xc3: {  	s0 =	simm.s32 @!p0 $0x3  }
0xc4: {  	_ =	swait.ge @!p0 [sflag:s0], s1  }
0xc5: {  	s1 =	ssub.s32 @!p0 $0x0, s1;
	[sflag:s0] =	ssyncset.done @!p0 $0x0  }
0xc6: {  	[sflag:s0] =	ssyncadd.s32 @!p0 s1  }
0xc7: {  	[bflag:$0x3] =	sbarrier.arrive $0xFFFF  }
0xc8: {  	_ =	shalt  }

</sc_bundles>
